<compile_context>
chip_gen: v7x
topology: tpu7x:2x2x1
jax: 0.10.2.dev20260603
libtpu: 0.0.44.dev20260713+nightly
codegen_flags: <defaults>
</compile_context>

<pallas_src>
import functools

import jax
import jax.numpy as jnp
from jax import lax
from jax.experimental import pallas as pl
from jax.experimental.pallas import tpu as pltpu
from jax.experimental.pallas import tpu_sc as plsc

_HB = 16


def _dense_body(lg_ref, sc_ref, *, C):
    x = lg_ref[0]
    s = jnp.sum(jnp.exp(x), axis=3)
    c_last = x[:, :, :, C - 1]
    score = c_last - jnp.log(s)
    sc_ref[:, 0:score.shape[1], 0:score.shape[2]] = score


def _sc_gather(scores_3d, neg_inds, W, A):
    info = plsc.get_sparse_core_info()
    nw = info.num_cores * info.num_subcores
    L = info.num_lanes
    n_neg = neg_inds.shape[1]
    b_last = neg_inds.shape[0] - 1
    bpw = n_neg // nw
    scores_flat = scores_3d.reshape(-1)
    mesh = plsc.VectorSubcoreMesh(core_axis_name="c", subcore_axis_name="s")

    @functools.partial(
        pl.kernel, mesh=mesh,
        out_type=jax.ShapeDtypeStruct((n_neg,), jnp.float32),
        scratch_types=[
            pltpu.VMEM((bpw,), jnp.int32),
            pltpu.VMEM((bpw,), jnp.float32),
            pltpu.SemaphoreType.DMA,
        ],
    )
    def k(neg_hbm, sc_hbm, out_hbm, idx_v, val_v, sem):
        wid = lax.axis_index("s") * info.num_cores + lax.axis_index("c")
        base = wid * bpw
        pltpu.sync_copy(neg_hbm.at[b_last, pl.ds(base, bpw)], idx_v)
        for j in range(bpw // L):
            n = idx_v[pl.ds(j * L, L)]
            h = (n * 10923) >> 22
            r = n - h * (W * A)
            w = (r * 683) >> 12
            a = r - w * A
            idx_v[pl.ds(j * L, L)] = ((h * 8 + a) << 7) + w
        pltpu.async_copy(sc_hbm.at[idx_v], val_v, sem).wait()
        pltpu.sync_copy(val_v, out_hbm.at[pl.ds(base, bpw)])

    return k(neg_inds, scores_flat)


def _final_body(g_ref, rows_ref, pairs_ref, lab_ref, out_ref, *, k_keep, C):
    rows = rows_ref[0, 0]
    A, W = rows.shape[0], rows.shape[1]
    lse_aw = jnp.log(jnp.sum(jnp.exp(rows), axis=2))
    ind = pairs_ref[0, :, 0:1]
    gti = pairs_ref[0, :, 1:2]
    P = ind.shape[0]
    lab_col = jnp.zeros((P, 1), jnp.int32)
    for g in range(lab_ref.shape[1]):
        lab_col = jnp.where(gti == g, lab_ref[lab_ref.shape[0] - 1, g],
                            lab_col)
    iotaC = lax.broadcasted_iota(jnp.int32, (P, C), 1)
    oh_lab = (lab_col == iotaC).astype(jnp.float32)
    iotaW = lax.broadcasted_iota(jnp.int32, (P, W), 1)
    sel = jnp.zeros((P, C), jnp.float32)
    pos_lse = jnp.zeros((P, W), jnp.float32)
    for a in range(A):
        oh_w = (ind == iotaW * A + a).astype(jnp.float32)
        sel = sel + jnp.dot(oh_w, rows[a],
                            preferred_element_type=jnp.float32)
        pos_lse = pos_lse + oh_w * lse_aw[a:a + 1, :]
    pos_sum = jnp.sum(oh_lab * sel) - jnp.sum(pos_lse)

    x = g_ref[...]
    b = lax.bitcast_convert_type(x, jnp.int32)
    key = jnp.where(b < 0, b ^ jnp.int32(0x7FFFFFFF), b)

    def step(i, t):
        tc = t + (jnp.int32(1) << (30 - i))
        cnt = jnp.sum((key >= tc).astype(jnp.int32))
        return jnp.where(cnt >= k_keep, tc, t)

    t = lax.fori_loop(0, 31, step, jnp.int32(-2147483647 - 1))
    gt = key > t
    cnt_gt = jnp.sum(gt.astype(jnp.int32))
    gt_sum = jnp.sum(jnp.where(gt, x, 0.0))
    v = jnp.max(jnp.where(key == t, x, -jnp.inf))
    neg_sum = gt_sum + (k_keep - cnt_gt).astype(jnp.float32) * v
    out_ref[0] = -(pos_sum + neg_sum)


def kernel(logits, gt_labels, pairs, pos_inds, neg_inds):
    B, H, W, A, C = logits.shape
    P = pairs.shape[1]
    k_keep = min(3 * pos_inds.shape[1], neg_inds.shape[1])

    lt = logits.transpose(0, 1, 3, 2, 4)

    scores = pl.pallas_call(
        functools.partial(_dense_body, C=C),
        grid=(H // _HB,),
        in_specs=[pl.BlockSpec((1, _HB, A, W, C),
                               lambda i: (B - 1, i, 0, 0, 0))],
        out_specs=pl.BlockSpec((_HB, 8, 128), lambda i: (i, 0, 0)),
        out_shape=jax.ShapeDtypeStruct((H, 8, 128), jnp.float32),
    )(lt)

    gathered = _sc_gather(scores, neg_inds.astype(jnp.int32), W, A)

    loss = pl.pallas_call(
        functools.partial(_final_body, k_keep=k_keep, C=C),
        grid=(1,),
        in_specs=[
            pl.BlockSpec((8, neg_inds.shape[1] // 8), lambda i: (0, 0)),
            pl.BlockSpec((1, 1, A, W, C), lambda i: (B - 1, 0, 0, 0, 0)),
            pl.BlockSpec((1, P, 2), lambda i: (B - 1, 0, 0)),
            pl.BlockSpec(memory_space=pltpu.SMEM),
        ],
        out_specs=pl.BlockSpec(memory_space=pltpu.SMEM),
        out_shape=jax.ShapeDtypeStruct((1,), jnp.float32),
    )(gathered.reshape(8, neg_inds.shape[1] // 8),
      lt, pairs.astype(jnp.int32), gt_labels.astype(jnp.int32))
    return jnp.reshape(loss, ())

# --- scband reference (transcript-rebuilt; emitter-appended) ---
"""Pipeline reference for scband-ssdclass-criterion-19868518711425 (READ-ONLY COPY).

The authoritative reference and input builder live on the scoring server;
editing this copy changes nothing except your own understanding.
"""

import jax, jax.numpy as jnp
import numpy as np


def setup_inputs(seed: int = 0) -> dict:
    key = jax.random.key(seed)
    k1, k2, k3, k4, k5 = jax.random.split(key, 5)
    B, H, W, A, C = 4, 64, 64, 6, 81
    N = H * W * A
    logits = jax.random.normal(k1, (B, H, W, A, C), dtype=jnp.float32)
    gt_labels = jax.random.randint(k2, (B, 32), 0, 80, dtype=jnp.int64)
    pairs = jax.random.randint(k3, (B, 128, 2), 0, 32, dtype=jnp.int64)
    pos_inds = jax.random.randint(k4, (B, 128), 0, N, dtype=jnp.int64)
    neg_inds = jax.random.randint(k5, (B, 1024), 0, N, dtype=jnp.int64)
    return {"logits": logits, "gt_labels": gt_labels, "pairs": pairs,
            "pos_inds": pos_inds, "neg_inds": neg_inds}


def reference(logits, gt_labels, pairs, pos_inds, neg_inds):
    # logits is a single-level 'list'; flatten(1,3): [B,H,W,A,C] -> [B, H*W*A, C]
    B = logits.shape[0]
    C = logits.shape[-1]
    flatten_logits = logits.reshape(B, -1, C)
    all_losses = []
    b_pos_conf = None
    b_neg_conf = None
    for b in range(B):
        b_logits = flatten_logits[b]
        b_pairs = pairs[b]
        b_pos_ind = pos_inds[b]
        b_neg_ind = neg_inds[b]
        ind = b_pairs[:, 0]
        gt_ind = b_pairs[:, 1]
        b_gt_labels = gt_labels[b][gt_ind]
        b_conf = jax.nn.softmax(b_logits, axis=-1)
        b_pos_conf = b_conf[ind, b_gt_labels]
        b_neg_conf = b_conf[b_neg_ind, -1]
        preserved_neg = min(b_pos_ind.shape[0] * 3, b_neg_ind.shape[0])
        b_neg_conf = jnp.sort(b_neg_conf)[::-1]  # descending sort
        b_neg_conf = b_neg_conf[:preserved_neg]
    # NOTE: faithful to the original torch code, loss is computed once after the
    # loop using the LAST batch element's confidences (same indentation bug).
    loss = (jnp.sum(jnp.log(b_pos_conf)) + jnp.sum(jnp.log(b_neg_conf))) * -1
    all_losses.append(loss)
    return jnp.mean(jnp.stack(all_losses))

if __name__ == "__main__":
    import jax
    _d = setup_inputs()
    print(jax.jit(kernel)(*tuple(_d.values())))

</pallas_src>

<mosaic_0001>
#map = affine_map<(d0, d1) -> (0, 0)>
#map1 = affine_map<(d0, d1) -> (0)>
module attributes {stable_mosaic.version = 14 : i64} {
  func.func @k(%arg0: i32, %arg1: i32, %arg2: memref<4x1024xi32, #tpu.memory_space<hbm>>, %arg3: memref<65536xf32, #tpu.memory_space<hbm>>, %arg4: memref<1024xf32, #tpu.memory_space<hbm>>, %arg5: memref<32xi32, #tpu.memory_space<vmem>>, %arg6: memref<32xf32, #tpu.memory_space<vmem>>, %arg7: memref<!tpu.dma_semaphore, #tpu.memory_space<semaphore_mem>>) attributes {dimension_semantics = [#tpu.dimension_semantics<core_parallel>, #tpu.dimension_semantics<subcore_parallel>], iteration_bounds = array<i64: 2, 16>, scalar_prefetch = 0 : i64, scratch_operands = 3 : i64, tpu.core_type = #tpu.core_type<sc_vector_subcore>, window_params = [{transform_indices = #map}, {transform_indices = #map1}, {transform_indices = #map1}]} {
    %mul3A = arith.constant 2 : i32
    %mul3A_0 = arith.muli %arg1, %mul3A : i32
    %add3A = arith.addi %mul3A_0, %arg0 : i32
    %mul3A_1 = arith.constant 32 : i32
    %mul3A_2 = arith.muli %add3A, %mul3A_1 : i32
    %run_scoped3A = arith.constant 3 : i32
    "tpu.region"() ({
      %run_scoped3A_70 = tpu.sem_alloc : memref<!tpu.dma_semaphore, #tpu.memory_space<semaphore_mem>>
      %dma_start3A_71 = tpu.memref_slice %arg2[%run_scoped3A, %mul3A_2] : memref<4x1024xi32, #tpu.memory_space<hbm>> -> memref<1x32xi32, #tpu.memory_space<hbm>>
      %dma_start3A_72 = tpu.memref_squeeze %dma_start3A_71 : memref<1x32xi32, #tpu.memory_space<hbm>> -> memref<32xi32, #tpu.memory_space<hbm>>
      %dma_start3A_73 = tpu.memref_slice %arg2[%run_scoped3A, %mul3A_2] : memref<4x1024xi32, #tpu.memory_space<hbm>> -> memref<1x32xi32, #tpu.memory_space<hbm>>
      %dma_start3A_74 = tpu.memref_squeeze %dma_start3A_73 : memref<1x32xi32, #tpu.memory_space<hbm>> -> memref<32xi32, #tpu.memory_space<hbm>>
      tpu.enqueue_dma source(%dma_start3A_74 : memref<32xi32, #tpu.memory_space<hbm>>) target(%arg5 : memref<32xi32, #tpu.memory_space<vmem>>) target_semaphore(%run_scoped3A_70 : memref<!tpu.dma_semaphore, #tpu.memory_space<semaphore_mem>>)
      %dma_wait3A_75 = tpu.memref_slice %arg2[%run_scoped3A, %mul3A_2] : memref<4x1024xi32, #tpu.memory_space<hbm>> -> memref<1x32xi32, #tpu.memory_space<hbm>>
      %dma_wait3A_76 = tpu.memref_squeeze %dma_wait3A_75 : memref<1x32xi32, #tpu.memory_space<hbm>> -> memref<32xi32, #tpu.memory_space<hbm>>
      %dma_wait3A_77 = tpu.memref_slice %arg2[%run_scoped3A, %mul3A_2] : memref<4x1024xi32, #tpu.memory_space<hbm>> -> memref<1x32xi32, #tpu.memory_space<hbm>>
      %dma_wait3A_78 = tpu.memref_squeeze %dma_wait3A_77 : memref<1x32xi32, #tpu.memory_space<hbm>> -> memref<32xi32, #tpu.memory_space<hbm>>
      tpu.wait_dma2 semaphore(%run_scoped3A_70 : memref<!tpu.dma_semaphore, #tpu.memory_space<semaphore_mem>>) src(%dma_wait3A_78 : memref<32xi32, #tpu.memory_space<hbm>>) dst(%arg5 : memref<32xi32, #tpu.memory_space<vmem>>)
      tpu.yield
    }) : () -> ()
    %get3A = arith.constant 0 : index
    %get3A_3 = tpu.vector_load %arg5[%get3A] {strides = array<i32>} : memref<32xi32, #tpu.memory_space<vmem>>, vector<16xi32>,
    %get3A_4 = vector.shape_cast %get3A_3 : vector<16xi32> to vector<16xi32>
    %mul3A_5 = arith.constant 10923 : i32
    %mul3A_6 = vector.broadcast %mul3A_5 : i32 to vector<16xi32>
    %mul3A_7 = arith.muli %get3A_4, %mul3A_6 : vector<16xi32>
    %shift_right_arithmetic3A = arith.constant 22 : i32
    %shift_right_arithmetic3A_8 = vector.broadcast %shift_right_arithmetic3A : i32 to vector<16xi32>
    %shift_right_arithmetic3A_9 = arith.shrsi %mul3A_7, %shift_right_arithmetic3A_8 : vector<16xi32>
    %mul3A_10 = arith.constant 384 : i32
    %mul3A_11 = vector.broadcast %mul3A_10 : i32 to vector<16xi32>
    %mul3A_12 = arith.muli %shift_right_arithmetic3A_9, %mul3A_11 : vector<16xi32>
    %sub3A = arith.subi %get3A_4, %mul3A_12 : vector<16xi32>
    %mul3A_13 = arith.constant 683 : i32
    %mul3A_14 = vector.broadcast %mul3A_13 : i32 to vector<16xi32>
    %mul3A_15 = arith.muli %sub3A, %mul3A_14 : vector<16xi32>
    %shift_right_arithmetic3A_16 = arith.constant 12 : i32
    %shift_right_arithmetic3A_17 = vector.broadcast %shift_right_arithmetic3A_16 : i32 to vector<16xi32>
    %shift_right_arithmetic3A_18 = arith.shrsi %mul3A_15, %shift_right_arithmetic3A_17 : vector<16xi32>
    %mul3A_19 = arith.constant 6 : i32
    %mul3A_20 = vector.broadcast %mul3A_19 : i32 to vector<16xi32>
    %mul3A_21 = arith.muli %shift_right_arithmetic3A_18, %mul3A_20 : vector<16xi32>
    %sub3A_22 = arith.subi %sub3A, %mul3A_21 : vector<16xi32>
    %mul3A_23 = arith.constant 8 : i32
    %mul3A_24 = vector.broadcast %mul3A_23 : i32 to vector<16xi32>
    %mul3A_25 = arith.muli %shift_right_arithmetic3A_9, %mul3A_24 : vector<16xi32>
    %add3A_26 = arith.addi %mul3A_25, %sub3A_22 : vector<16xi32>
    %shift_left3A = arith.constant 7 : i32
    %shift_left3A_27 = vector.broadcast %shift_left3A : i32 to vector<16xi32>
    %shift_left3A_28 = arith.shli %add3A_26, %shift_left3A_27 : vector<16xi32>
    %add3A_29 = arith.addi %shift_left3A_28, %shift_right_arithmetic3A_18 : vector<16xi32>
    %swap3A = arith.constant 0 : index
    %swap3A_30 = tpu.vector_load %arg5[%swap3A] {strides = array<i32>} : memref<32xi32, #tpu.memory_space<vmem>>, vector<16xi32>,
    %swap3A_31 = vector.shape_cast %swap3A_30 : vector<16xi32> to vector<16xi32>
    %swap3A_32 = vector.shape_cast %add3A_29 : vector<16xi32> to vector<16xi32>
    tpu.vector_store %arg5[%swap3A], %swap3A_32 {strides = array<i32>} : memref<32xi32, #tpu.memory_space<vmem>>, vector<16xi32>,
    %get3A_33 = arith.constant 16 : index
    %get3A_34 = tpu.vector_load %arg5[%get3A_33] {strides = array<i32>} : memref<32xi32, #tpu.memory_space<vmem>>, vector<16xi32>,
    %get3A_35 = vector.shape_cast %get3A_34 : vector<16xi32> to vector<16xi32>
    %mul3A_36 = arith.constant 10923 : i32
    %mul3A_37 = vector.broadcast %mul3A_36 : i32 to vector<16xi32>
    %mul3A_38 = arith.muli %get3A_35, %mul3A_37 : vector<16xi32>
    %shift_right_arithmetic3A_39 = arith.constant 22 : i32
    %shift_right_arithmetic3A_40 = vector.broadcast %shift_right_arithmetic3A_39 : i32 to vector<16xi32>
    %shift_right_arithmetic3A_41 = arith.shrsi %mul3A_38, %shift_right_arithmetic3A_40 : vector<16xi32>
    %mul3A_42 = arith.constant 384 : i32
    %mul3A_43 = vector.broadcast %mul3A_42 : i32 to vector<16xi32>
    %mul3A_44 = arith.muli %shift_right_arithmetic3A_41, %mul3A_43 : vector<16xi32>
    %sub3A_45 = arith.subi %get3A_35, %mul3A_44 : vector<16xi32>
    %mul3A_46 = arith.constant 683 : i32
    %mul3A_47 = vector.broadcast %mul3A_46 : i32 to vector<16xi32>
    %mul3A_48 = arith.muli %sub3A_45, %mul3A_47 : vector<16xi32>
    %shift_right_arithmetic3A_49 = arith.constant 12 : i32
    %shift_right_arithmetic3A_50 = vector.broadcast %shift_right_arithmetic3A_49 : i32 to vector<16xi32>
    %shift_right_arithmetic3A_51 = arith.shrsi %mul3A_48, %shift_right_arithmetic3A_50 : vector<16xi32>
    %mul3A_52 = arith.constant 6 : i32
    %mul3A_53 = vector.broadcast %mul3A_52 : i32 to vector<16xi32>
    %mul3A_54 = arith.muli %shift_right_arithmetic3A_51, %mul3A_53 : vector<16xi32>
    %sub3A_55 = arith.subi %sub3A_45, %mul3A_54 : vector<16xi32>
    %mul3A_56 = arith.constant 8 : i32
    %mul3A_57 = vector.broadcast %mul3A_56 : i32 to vector<16xi32>
    %mul3A_58 = arith.muli %shift_right_arithmetic3A_41, %mul3A_57 : vector<16xi32>
    %add3A_59 = arith.addi %mul3A_58, %sub3A_55 : vector<16xi32>
    %shift_left3A_60 = arith.constant 7 : i32
    %shift_left3A_61 = vector.broadcast %shift_left3A_60 : i32 to vector<16xi32>
    %shift_left3A_62 = arith.shli %add3A_59, %shift_left3A_61 : vector<16xi32>
    %add3A_63 = arith.addi %shift_left3A_62, %shift_right_arithmetic3A_51 : vector<16xi32>
    %swap3A_64 = arith.constant 16 : index
    %swap3A_65 = tpu.vector_load %arg5[%swap3A_64] {strides = array<i32>} : memref<32xi32, #tpu.memory_space<vmem>>, vector<16xi32>,
    %swap3A_66 = vector.shape_cast %swap3A_65 : vector<16xi32> to vector<16xi32>
    %swap3A_67 = vector.shape_cast %add3A_63 : vector<16xi32> to vector<16xi32>
    tpu.vector_store %arg5[%swap3A_64], %swap3A_67 {strides = array<i32>} : memref<32xi32, #tpu.memory_space<vmem>>, vector<16xi32>,
    %dma_start3A = arith.constant 0 : i32
    %dma_start3A_68 = tpu.memref_slice %arg3[%dma_start3A] : memref<65536xf32, #tpu.memory_space<hbm>> -> memref<65536xf32, #tpu.memory_space<hbm>>
    tpu.enqueue_indirect_dma source(%dma_start3A_68 : memref<65536xf32, #tpu.memory_space<hbm>>) target(%arg6 : memref<32xf32, #tpu.memory_space<vmem>>) offsets(%arg5 : memref<32xi32, #tpu.memory_space<vmem>>) semaphore(%arg7 : memref<!tpu.dma_semaphore, #tpu.memory_space<semaphore_mem>>)
    %dma_wait3A = arith.constant 0 : i32
    %dma_wait3A_69 = tpu.memref_slice %arg3[%dma_wait3A] : memref<65536xf32, #tpu.memory_space<hbm>> -> memref<65536xf32, #tpu.memory_space<hbm>>
    tpu.wait_indirect_dma semaphore(%arg7 : memref<!tpu.dma_semaphore, #tpu.memory_space<semaphore_mem>>) src(%dma_wait3A_69 : memref<65536xf32, #tpu.memory_space<hbm>>) dst(%arg6 : memref<32xf32, #tpu.memory_space<vmem>>)
    "tpu.region"() ({
      %run_scoped3A_70 = tpu.sem_alloc : memref<!tpu.dma_semaphore, #tpu.memory_space<semaphore_mem>>
      %dma_start3A_71 = tpu.memref_slice %arg4[%mul3A_2] : memref<1024xf32, #tpu.memory_space<hbm>> -> memref<32xf32, #tpu.memory_space<hbm>>
      %dma_start3A_72 = tpu.memref_slice %arg4[%mul3A_2] : memref<1024xf32, #tpu.memory_space<hbm>> -> memref<32xf32, #tpu.memory_space<hbm>>
      tpu.enqueue_dma source(%arg6 : memref<32xf32, #tpu.memory_space<vmem>>) target(%dma_start3A_72 : memref<32xf32, #tpu.memory_space<hbm>>) target_semaphore(%run_scoped3A_70 : memref<!tpu.dma_semaphore, #tpu.memory_space<semaphore_mem>>)
      %dma_wait3A_73 = tpu.memref_slice %arg4[%mul3A_2] : memref<1024xf32, #tpu.memory_space<hbm>> -> memref<32xf32, #tpu.memory_space<hbm>>
      %dma_wait3A_74 = tpu.memref_slice %arg4[%mul3A_2] : memref<1024xf32, #tpu.memory_space<hbm>> -> memref<32xf32, #tpu.memory_space<hbm>>
      tpu.wait_dma2 semaphore(%run_scoped3A_70 : memref<!tpu.dma_semaphore, #tpu.memory_space<semaphore_mem>>) src(%arg6 : memref<32xf32, #tpu.memory_space<vmem>>) dst(%dma_wait3A_74 : memref<32xf32, #tpu.memory_space<hbm>>)
      tpu.yield
    }) : () -> ()
    return
  }
}

module attributes {stable_mosaic.version = 14 : i64} {
  func.func @_final_body(%arg0: i32, %arg1: memref<8x128xf32, #tpu.memory_space<vmem>>, %arg2: memref<1x1x6x64x81xf32, #tpu.memory_space<vmem>>, %arg3: memref<1x128x2xi32, #tpu.memory_space<vmem>>, %arg4: memref<4x32xi32, #tpu.memory_space<smem>>, %arg5: memref<1xf32, #tpu.memory_space<smem>>) attributes {dimension_semantics = [#tpu.dimension_semantics<arbitrary>], iteration_bounds = array<i64: 1>, scalar_prefetch = 0 : i64, scratch_operands = 0 : i64, tpu.core_type = #tpu.core_type<tc>, window_params = [{pipeline_mode = #tpu.pipeline_mode<synchronous>, transform_indices = @transform_0, window_bounds = array<i64: 8, 128>}, {transform_indices = @transform_1, window_bounds = array<i64: 1, 1, 6, 64, 81>}, {transform_indices = @transform_2, window_bounds = array<i64: 1, 128, 2>}, {transform_indices = @transform_3, window_bounds = array<i64: 4, 32>}, {transform_indices = @transform_4, window_bounds = array<i64: 1>}]} {
    %get3A = arith.constant 0 : index
    %get3A_0 = arith.constant 0 : index
    %get3A_1 = arith.constant 0 : index
    %get3A_2 = arith.constant 0 : index
    %get3A_3 = arith.constant 0 : index
    %get3A_4 = vector.load %arg2[%get3A, %get3A_0, %get3A_1, %get3A_2, %get3A_3] : memref<1x1x6x64x81xf32, #tpu.memory_space<vmem>>, vector<1x1x6x64x81xf32>
    %get3A_5 = vector.shape_cast %get3A_4 : vector<1x1x6x64x81xf32> to vector<6x64x81xf32>
    %exp3A = math.exp %get3A_5 : vector<6x64x81xf32>
    %reduce_sum3A = arith.constant dense<0.000000e+00> : vector<6x64xf32>
    %reduce_sum3A_6 = vector.multi_reduction <add>, %exp3A, %reduce_sum3A [2] : vector<6x64x81xf32> to vector<6x64xf32>
    %log3A = math.log %reduce_sum3A_6 : vector<6x64xf32>
    %get3A_7 = arith.constant 0 : index
    %get3A_8 = arith.constant 0 : index
    %get3A_9 = arith.constant 0 : index
    %get3A_10 = vector.load %arg3[%get3A_7, %get3A_8, %get3A_9] : memref<1x128x2xi32, #tpu.memory_space<vmem>>, vector<1x128x1xi32>
    %get3A_11 = vector.shape_cast %get3A_10 : vector<1x128x1xi32> to vector<128x1xi32>
    %get3A_12 = arith.constant 0 : index
    %get3A_13 = arith.constant 0 : index
    %get3A_14 = arith.constant 1 : index
    %get3A_15 = vector.load %arg3[%get3A_12, %get3A_13, %get3A_14] : memref<1x128x2xi32, #tpu.memory_space<vmem>>, vector<1x128x1xi32>
    %get3A_16 = vector.shape_cast %get3A_15 : vector<1x128x1xi32> to vector<128x1xi32>
    %broadcast_in_dim3A = arith.constant 0 : i32
    %broadcast_in_dim3A_17 = vector.broadcast %broadcast_in_dim3A : i32 to vector<128x1xi32>
    %eq3A = arith.constant 0 : i32
    %eq3A_18 = vector.broadcast %eq3A : i32 to vector<128x1xi32>
    %eq3A_19 = arith.cmpi eq, %get3A_16, %eq3A_18 : vector<128x1xi32>
    %get3A_20 = arith.constant 3 : index
    %get3A_21 = arith.constant 0 : index
    %get3A_22 = memref.load %arg4[%get3A_20, %get3A_21] : memref<4x32xi32, #tpu.memory_space<smem>>
    %broadcast_in_dim3A_23 = vector.broadcast %get3A_22 : i32 to vector<128x1xi32>
    %select_n3A = arith.select %eq3A_19, %broadcast_in_dim3A_23, %broadcast_in_dim3A_17 : vector<128x1xi1>, vector<128x1xi32>
    %eq3A_24 = arith.constant 1 : i32
    %eq3A_25 = vector.broadcast %eq3A_24 : i32 to vector<128x1xi32>
    %eq3A_26 = arith.cmpi eq, %get3A_16, %eq3A_25 : vector<128x1xi32>
    %get3A_27 = arith.constant 3 : index
    %get3A_28 = arith.constant 1 : index
    %get3A_29 = memref.load %arg4[%get3A_27, %get3A_28] : memref<4x32xi32, #tpu.memory_space<smem>>
    %broadcast_in_dim3A_30 = vector.broadcast %get3A_29 : i32 to vector<128x1xi32>
    %select_n3A_31 = arith.select %eq3A_26, %broadcast_in_dim3A_30, %select_n3A : vector<128x1xi1>, vector<128x1xi32>
    %eq3A_32 = arith.constant 2 : i32
    %eq3A_33 = vector.broadcast %eq3A_32 : i32 to vector<128x1xi32>
    %eq3A_34 = arith.cmpi eq, %get3A_16, %eq3A_33 : vector<128x1xi32>
    %get3A_35 = arith.constant 3 : index
    %get3A_36 = arith.constant 2 : index
    %get3A_37 = memref.load %arg4[%get3A_35, %get3A_36] : memref<4x32xi32, #tpu.memory_space<smem>>
    %broadcast_in_dim3A_38 = vector.broadcast %get3A_37 : i32 to vector<128x1xi32>
    %select_n3A_39 = arith.select %eq3A_34, %broadcast_in_dim3A_38, %select_n3A_31 : vector<128x1xi1>, vector<128x1xi32>
    %eq3A_40 = arith.constant 3 : i32
    %eq3A_41 = vector.broadcast %eq3A_40 : i32 to vector<128x1xi32>
    %eq3A_42 = arith.cmpi eq, %get3A_16, %eq3A_41 : vector<128x1xi32>
    %get3A_43 = arith.constant 3 : index
    %get3A_44 = arith.constant 3 : index
    %get3A_45 = memref.load %arg4[%get3A_43, %get3A_44] : memref<4x32xi32, #tpu.memory_space<smem>>
    %broadcast_in_dim3A_46 = vector.broadcast %get3A_45 : i32 to vector<128x1xi32>
    %select_n3A_47 = arith.select %eq3A_42, %broadcast_in_dim3A_46, %select_n3A_39 : vector<128x1xi1>, vector<128x1xi32>
    %eq3A_48 = arith.constant 4 : i32
    %eq3A_49 = vector.broadcast %eq3A_48 : i32 to vector<128x1xi32>
    %eq3A_50 = arith.cmpi eq, %get3A_16, %eq3A_49 : vector<128x1xi32>
    %get3A_51 = arith.constant 3 : index
    %get3A_52 = arith.constant 4 : index
    %get3A_53 = memref.load %arg4[%get3A_51, %get3A_52] : memref<4x32xi32, #tpu.memory_space<smem>>
    %broadcast_in_dim3A_54 = vector.broadcast %get3A_53 : i32 to vector<128x1xi32>
    %select_n3A_55 = arith.select %eq3A_50, %broadcast_in_dim3A_54, %select_n3A_47 : vector<128x1xi1>, vector<128x1xi32>
    %eq3A_56 = arith.constant 5 : i32
    %eq3A_57 = vector.broadcast %eq3A_56 : i32 to vector<128x1xi32>
    %eq3A_58 = arith.cmpi eq, %get3A_16, %eq3A_57 : vector<128x1xi32>
    %get3A_59 = arith.constant 3 : index
    %get3A_60 = arith.constant 5 : index
    %get3A_61 = memref.load %arg4[%get3A_59, %get3A_60] : memref<4x32xi32, #tpu.memory_space<smem>>
    %broadcast_in_dim3A_62 = vector.broadcast %get3A_61 : i32 to vector<128x1xi32>
    %select_n3A_63 = arith.select %eq3A_58, %broadcast_in_dim3A_62, %select_n3A_55 : vector<128x1xi1>, vector<128x1xi32>
    %eq3A_64 = arith.constant 6 : i32
    %eq3A_65 = vector.broadcast %eq3A_64 : i32 to vector<128x1xi32>
    %eq3A_66 = arith.cmpi eq, %get3A_16, %eq3A_65 : vector<128x1xi32>
    %get3A_67 = arith.constant 3 : index
    %get3A_68 = arith.constant 6 : index
    %get3A_69 = memref.load %arg4[%get3A_67, %get3A_68] : memref<4x32xi32, #tpu.memory_space<smem>>
    %broadcast_in_dim3A_70 = vector.broadcast %get3A_69 : i32 to vector<128x1xi32>
    %select_n3A_71 = arith.select %eq3A_66, %broadcast_in_dim3A_70, %select_n3A_63 : vector<128x1xi1>, vector<128x1xi32>
    %eq3A_72 = arith.constant 7 : i32
    %eq3A_73 = vector.broadcast %eq3A_72 : i32 to vector<128x1xi32>
    %eq3A_74 = arith.cmpi eq, %get3A_16, %eq3A_73 : vector<128x1xi32>
    %get3A_75 = arith.constant 3 : index
    %get3A_76 = arith.constant 7 : index
    %get3A_77 = memref.load %arg4[%get3A_75, %get3A_76] : memref<4x32xi32, #tpu.memory_space<smem>>
    %broadcast_in_dim3A_78 = vector.broadcast %get3A_77 : i32 to vector<128x1xi32>
    %select_n3A_79 = arith.select %eq3A_74, %broadcast_in_dim3A_78, %select_n3A_71 : vector<128x1xi1>, vector<128x1xi32>
    %eq3A_80 = arith.constant 8 : i32
    %eq3A_81 = vector.broadcast %eq3A_80 : i32 to vector<128x1xi32>
    %eq3A_82 = arith.cmpi eq, %get3A_16, %eq3A_81 : vector<128x1xi32>
    %get3A_83 = arith.constant 3 : index
    %get3A_84 = arith.constant 8 : index
    %get3A_85 = memref.load %arg4[%get3A_83, %get3A_84] : memref<4x32xi32, #tpu.memory_space<smem>>
    %broadcast_in_dim3A_86 = vector.broadcast %get3A_85 : i32 to vector<128x1xi32>
    %select_n3A_87 = arith.select %eq3A_82, %broadcast_in_dim3A_86, %select_n3A_79 : vector<128x1xi1>, vector<128x1xi32>
    %eq3A_88 = arith.constant 9 : i32
    %eq3A_89 = vector.broadcast %eq3A_88 : i32 to vector<128x1xi32>
    %eq3A_90 = arith.cmpi eq, %get3A_16, %eq3A_89 : vector<128x1xi32>
    %get3A_91 = arith.constant 3 : index
    %get3A_92 = arith.constant 9 : index
    %get3A_93 = memref.load %arg4[%get3A_91, %get3A_92] : memref<4x32xi32, #tpu.memory_space<smem>>
    %broadcast_in_dim3A_94 = vector.broadcast %get3A_93 : i32 to vector<128x1xi32>
    %select_n3A_95 = arith.select %eq3A_90, %broadcast_in_dim3A_94, %select_n3A_87 : vector<128x1xi1>, vector<128x1xi32>
    %eq3A_96 = arith.constant 10 : i32
    %eq3A_97 = vector.broadcast %eq3A_96 : i32 to vector<128x1xi32>
    %eq3A_98 = arith.cmpi eq, %get3A_16, %eq3A_97 : vector<128x1xi32>
    %get3A_99 = arith.constant 3 : index
    %get3A_100 = arith.constant 10 : index
    %get3A_101 = memref.load %arg4[%get3A_99, %get3A_100] : memref<4x32xi32, #tpu.memory_space<smem>>
    %broadcast_in_dim3A_102 = vector.broadcast %get3A_101 : i32 to vector<128x1xi32>
    %select_n3A_103 = arith.select %eq3A_98, %broadcast_in_dim3A_102, %select_n3A_95 : vector<128x1xi1>, vector<128x1xi32>
    %eq3A_104 = arith.constant 11 : i32
    %eq3A_105 = vector.broadcast %eq3A_104 : i32 to vector<128x1xi32>
    %eq3A_106 = arith.cmpi eq, %get3A_16, %eq3A_105 : vector<128x1xi32>
    %get3A_107 = arith.constant 3 : index
    %get3A_108 = arith.constant 11 : index
    %get3A_109 = memref.load %arg4[%get3A_107, %get3A_108] : memref<4x32xi32, #tpu.memory_space<smem>>
    %broadcast_in_dim3A_110 = vector.broadcast %get3A_109 : i32 to vector<128x1xi32>
    %select_n3A_111 = arith.select %eq3A_106, %broadcast_in_dim3A_110, %select_n3A_103 : vector<128x1xi1>, vector<128x1xi32>
    %eq3A_112 = arith.constant 12 : i32
    %eq3A_113 = vector.broadcast %eq3A_112 : i32 to vector<128x1xi32>
    %eq3A_114 = arith.cmpi eq, %get3A_16, %eq3A_113 : vector<128x1xi32>
    %get3A_115 = arith.constant 3 : index
    %get3A_116 = arith.constant 12 : index
    %get3A_117 = memref.load %arg4[%get3A_115, %get3A_116] : memref<4x32xi32, #tpu.memory_space<smem>>
    %broadcast_in_dim3A_118 = vector.broadcast %get3A_117 : i32 to vector<128x1xi32>
    %select_n3A_119 = arith.select %eq3A_114, %broadcast_in_dim3A_118, %select_n3A_111 : vector<128x1xi1>, vector<128x1xi32>
    %eq3A_120 = arith.constant 13 : i32
    %eq3A_121 = vector.broadcast %eq3A_120 : i32 to vector<128x1xi32>
    %eq3A_122 = arith.cmpi eq, %get3A_16, %eq3A_121 : vector<128x1xi32>
    %get3A_123 = arith.constant 3 : index
    %get3A_124 = arith.constant 13 : index
    %get3A_125 = memref.load %arg4[%get3A_123, %get3A_124] : memref<4x32xi32, #tpu.memory_space<smem>>
    %broadcast_in_dim3A_126 = vector.broadcast %get3A_125 : i32 to vector<128x1xi32>
    %select_n3A_127 = arith.select %eq3A_122, %broadcast_in_dim3A_126, %select_n3A_119 : vector<128x1xi1>, vector<128x1xi32>
    %eq3A_128 = arith.constant 14 : i32
    %eq3A_129 = vector.broadcast %eq3A_128 : i32 to vector<128x1xi32>
    %eq3A_130 = arith.cmpi eq, %get3A_16, %eq3A_129 : vector<128x1xi32>
    %get3A_131 = arith.constant 3 : index
    %get3A_132 = arith.constant 14 : index
    %get3A_133 = memref.load %arg4[%get3A_131, %get3A_132] : memref<4x32xi32, #tpu.memory_space<smem>>
    %broadcast_in_dim3A_134 = vector.broadcast %get3A_133 : i32 to vector<128x1xi32>
    %select_n3A_135 = arith.select %eq3A_130, %broadcast_in_dim3A_134, %select_n3A_127 : vector<128x1xi1>, vector<128x1xi32>
    %eq3A_136 = arith.constant 15 : i32
    %eq3A_137 = vector.broadcast %eq3A_136 : i32 to vector<128x1xi32>
    %eq3A_138 = arith.cmpi eq, %get3A_16, %eq3A_137 : vector<128x1xi32>
    %get3A_139 = arith.constant 3 : index
    %get3A_140 = arith.constant 15 : index
    %get3A_141 = memref.load %arg4[%get3A_139, %get3A_140] : memref<4x32xi32, #tpu.memory_space<smem>>
    %broadcast_in_dim3A_142 = vector.broadcast %get3A_141 : i32 to vector<128x1xi32>
    %select_n3A_143 = arith.select %eq3A_138, %broadcast_in_dim3A_142, %select_n3A_135 : vector<128x1xi1>, vector<128x1xi32>
    %eq3A_144 = arith.constant 16 : i32
    %eq3A_145 = vector.broadcast %eq3A_144 : i32 to vector<128x1xi32>
    %eq3A_146 = arith.cmpi eq, %get3A_16, %eq3A_145 : vector<128x1xi32>
    %get3A_147 = arith.constant 3 : index
    %get3A_148 = arith.constant 16 : index
    %get3A_149 = memref.load %arg4[%get3A_147, %get3A_148] : memref<4x32xi32, #tpu.memory_space<smem>>
    %broadcast_in_dim3A_150 = vector.broadcast %get3A_149 : i32 to vector<128x1xi32>
    %select_n3A_151 = arith.select %eq3A_146, %broadcast_in_dim3A_150, %select_n3A_143 : vector<128x1xi1>, vector<128x1xi32>
    %eq3A_152 = arith.constant 17 : i32
    %eq3A_153 = vector.broadcast %eq3A_152 : i32 to vector<128x1xi32>
    %eq3A_154 = arith.cmpi eq, %get3A_16, %eq3A_153 : vector<128x1xi32>
    %get3A_155 = arith.constant 3 : index
    %get3A_156 = arith.constant 17 : index
    %get3A_157 = memref.load %arg4[%get3A_155, %get3A_156] : memref<4x32xi32, #tpu.memory_space<smem>>
    %broadcast_in_dim3A_158 = vector.broadcast %get3A_157 : i32 to vector<128x1xi32>
    %select_n3A_159 = arith.select %eq3A_154, %broadcast_in_dim3A_158, %select_n3A_151 : vector<128x1xi1>, vector<128x1xi32>
    %eq3A_160 = arith.constant 18 : i32
    %eq3A_161 = vector.broadcast %eq3A_160 : i32 to vector<128x1xi32>
    %eq3A_162 = arith.cmpi eq, %get3A_16, %eq3A_161 : vector<128x1xi32>
    %get3A_163 = arith.constant 3 : index
    %get3A_164 = arith.constant 18 : index
    %get3A_165 = memref.load %arg4[%get3A_163, %get3A_164] : memref<4x32xi32, #tpu.memory_space<smem>>
    %broadcast_in_dim3A_166 = vector.broadcast %get3A_165 : i32 to vector<128x1xi32>
    %select_n3A_167 = arith.select %eq3A_162, %broadcast_in_dim3A_166, %select_n3A_159 : vector<128x1xi1>, vector<128x1xi32>
    %eq3A_168 = arith.constant 19 : i32
    %eq3A_169 = vector.broadcast %eq3A_168 : i32 to vector<128x1xi32>
    %eq3A_170 = arith.cmpi eq, %get3A_16, %eq3A_169 : vector<128x1xi32>
    %get3A_171 = arith.constant 3 : index
    %get3A_172 = arith.constant 19 : index
    %get3A_173 = memref.load %arg4[%get3A_171, %get3A_172] : memref<4x32xi32, #tpu.memory_space<smem>>
    %broadcast_in_dim3A_174 = vector.broadcast %get3A_173 : i32 to vector<128x1xi32>
    %select_n3A_175 = arith.select %eq3A_170, %broadcast_in_dim3A_174, %select_n3A_167 : vector<128x1xi1>, vector<128x1xi32>
    %eq3A_176 = arith.constant 20 : i32
    %eq3A_177 = vector.broadcast %eq3A_176 : i32 to vector<128x1xi32>
    %eq3A_178 = arith.cmpi eq, %get3A_16, %eq3A_177 : vector<128x1xi32>
    %get3A_179 = arith.constant 3 : index
    %get3A_180 = arith.constant 20 : index
    %get3A_181 = memref.load %arg4[%get3A_179, %get3A_180] : memref<4x32xi32, #tpu.memory_space<smem>>
    %broadcast_in_dim3A_182 = vector.broadcast %get3A_181 : i32 to vector<128x1xi32>
    %select_n3A_183 = arith.select %eq3A_178, %broadcast_in_dim3A_182, %select_n3A_175 : vector<128x1xi1>, vector<128x1xi32>
    %eq3A_184 = arith.constant 21 : i32
    %eq3A_185 = vector.broadcast %eq3A_184 : i32 to vector<128x1xi32>
    %eq3A_186 = arith.cmpi eq, %get3A_16, %eq3A_185 : vector<128x1xi32>
    %get3A_187 = arith.constant 3 : index
    %get3A_188 = arith.constant 21 : index
    %get3A_189 = memref.load %arg4[%get3A_187, %get3A_188] : memref<4x32xi32, #tpu.memory_space<smem>>
    %broadcast_in_dim3A_190 = vector.broadcast %get3A_189 : i32 to vector<128x1xi32>
    %select_n3A_191 = arith.select %eq3A_186, %broadcast_in_dim3A_190, %select_n3A_183 : vector<128x1xi1>, vector<128x1xi32>
    %eq3A_192 = arith.constant 22 : i32
    %eq3A_193 = vector.broadcast %eq3A_192 : i32 to vector<128x1xi32>
    %eq3A_194 = arith.cmpi eq, %get3A_16, %eq3A_193 : vector<128x1xi32>
    %get3A_195 = arith.constant 3 : index
    %get3A_196 = arith.constant 22 : index
    %get3A_197 = memref.load %arg4[%get3A_195, %get3A_196] : memref<4x32xi32, #tpu.memory_space<smem>>
    %broadcast_in_dim3A_198 = vector.broadcast %get3A_197 : i32 to vector<128x1xi32>
    %select_n3A_199 = arith.select %eq3A_194, %broadcast_in_dim3A_198, %select_n3A_191 : vector<128x1xi1>, vector<128x1xi32>
    %eq3A_200 = arith.constant 23 : i32
    %eq3A_201 = vector.broadcast %eq3A_200 : i32 to vector<128x1xi32>
    %eq3A_202 = arith.cmpi eq, %get3A_16, %eq3A_201 : vector<128x1xi32>
    %get3A_203 = arith.constant 3 : index
    %get3A_204 = arith.constant 23 : index
    %get3A_205 = memref.load %arg4[%get3A_203, %get3A_204] : memref<4x32xi32, #tpu.memory_space<smem>>
    %broadcast_in_dim3A_206 = vector.broadcast %get3A_205 : i32 to vector<128x1xi32>
    %select_n3A_207 = arith.select %eq3A_202, %broadcast_in_dim3A_206, %select_n3A_199 : vector<128x1xi1>, vector<128x1xi32>
    %eq3A_208 = arith.constant 24 : i32
    %eq3A_209 = vector.broadcast %eq3A_208 : i32 to vector<128x1xi32>
    %eq3A_210 = arith.cmpi eq, %get3A_16, %eq3A_209 : vector<128x1xi32>
    %get3A_211 = arith.constant 3 : index
    %get3A_212 = arith.constant 24 : index
    %get3A_213 = memref.load %arg4[%get3A_211, %get3A_212] : memref<4x32xi32, #tpu.memory_space<smem>>
    %broadcast_in_dim3A_214 = vector.broadcast %get3A_213 : i32 to vector<128x1xi32>
    %select_n3A_215 = arith.select %eq3A_210, %broadcast_in_dim3A_214, %select_n3A_207 : vector<128x1xi1>, vector<128x1xi32>
    %eq3A_216 = arith.constant 25 : i32
    %eq3A_217 = vector.broadcast %eq3A_216 : i32 to vector<128x1xi32>
    %eq3A_218 = arith.cmpi eq, %get3A_16, %eq3A_217 : vector<128x1xi32>
    %get3A_219 = arith.constant 3 : index
    %get3A_220 = arith.constant 25 : index
    %get3A_221 = memref.load %arg4[%get3A_219, %get3A_220] : memref<4x32xi32, #tpu.memory_space<smem>>
    %broadcast_in_dim3A_222 = vector.broadcast %get3A_221 : i32 to vector<128x1xi32>
    %select_n3A_223 = arith.select %eq3A_218, %broadcast_in_dim3A_222, %select_n3A_215 : vector<128x1xi1>, vector<128x1xi32>
    %eq3A_224 = arith.constant 26 : i32
    %eq3A_225 = vector.broadcast %eq3A_224 : i32 to vector<128x1xi32>
    %eq3A_226 = arith.cmpi eq, %get3A_16, %eq3A_225 : vector<128x1xi32>
    %get3A_227 = arith.constant 3 : index
    %get3A_228 = arith.constant 26 : index
    %get3A_229 = memref.load %arg4[%get3A_227, %get3A_228] : memref<4x32xi32, #tpu.memory_space<smem>>
    %broadcast_in_dim3A_230 = vector.broadcast %get3A_229 : i32 to vector<128x1xi32>
    %select_n3A_231 = arith.select %eq3A_226, %broadcast_in_dim3A_230, %select_n3A_223 : vector<128x1xi1>, vector<128x1xi32>
    %eq3A_232 = arith.constant 27 : i32
    %eq3A_233 = vector.broadcast %eq3A_232 : i32 to vector<128x1xi32>
    %eq3A_234 = arith.cmpi eq, %get3A_16, %eq3A_233 : vector<128x1xi32>
    %get3A_235 = arith.constant 3 : index
    %get3A_236 = arith.constant 27 : index
    %get3A_237 = memref.load %arg4[%get3A_235, %get3A_236] : memref<4x32xi32, #tpu.memory_space<smem>>
    %broadcast_in_dim3A_238 = vector.broadcast %get3A_237 : i32 to vector<128x1xi32>
    %select_n3A_239 = arith.select %eq3A_234, %broadcast_in_dim3A_238, %select_n3A_231 : vector<128x1xi1>, vector<128x1xi32>
    %eq3A_240 = arith.constant 28 : i32
    %eq3A_241 = vector.broadcast %eq3A_240 : i32 to vector<128x1xi32>
    %eq3A_242 = arith.cmpi eq, %get3A_16, %eq3A_241 : vector<128x1xi32>
    %get3A_243 = arith.constant 3 : index
    %get3A_244 = arith.constant 28 : index
    %get3A_245 = memref.load %arg4[%get3A_243, %get3A_244] : memref<4x32xi32, #tpu.memory_space<smem>>
    %broadcast_in_dim3A_246 = vector.broadcast %get3A_245 : i32 to vector<128x1xi32>
    %select_n3A_247 = arith.select %eq3A_242, %broadcast_in_dim3A_246, %select_n3A_239 : vector<128x1xi1>, vector<128x1xi32>
    %eq3A_248 = arith.constant 29 : i32
    %eq3A_249 = vector.broadcast %eq3A_248 : i32 to vector<128x1xi32>
    %eq3A_250 = arith.cmpi eq, %get3A_16, %eq3A_249 : vector<128x1xi32>
    %get3A_251 = arith.constant 3 : index
    %get3A_252 = arith.constant 29 : index
    %get3A_253 = memref.load %arg4[%get3A_251, %get3A_252] : memref<4x32xi32, #tpu.memory_space<smem>>
    %broadcast_in_dim3A_254 = vector.broadcast %get3A_253 : i32 to vector<128x1xi32>
    %select_n3A_255 = arith.select %eq3A_250, %broadcast_in_dim3A_254, %select_n3A_247 : vector<128x1xi1>, vector<128x1xi32>
    %eq3A_256 = arith.constant 30 : i32
    %eq3A_257 = vector.broadcast %eq3A_256 : i32 to vector<128x1xi32>
    %eq3A_258 = arith.cmpi eq, %get3A_16, %eq3A_257 : vector<128x1xi32>
    %get3A_259 = arith.constant 3 : index
    %get3A_260 = arith.constant 30 : index
    %get3A_261 = memref.load %arg4[%get3A_259, %get3A_260] : memref<4x32xi32, #tpu.memory_space<smem>>
    %broadcast_in_dim3A_262 = vector.broadcast %get3A_261 : i32 to vector<128x1xi32>
    %select_n3A_263 = arith.select %eq3A_258, %broadcast_in_dim3A_262, %select_n3A_255 : vector<128x1xi1>, vector<128x1xi32>
    %eq3A_264 = arith.constant 31 : i32
    %eq3A_265 = vector.broadcast %eq3A_264 : i32 to vector<128x1xi32>
    %eq3A_266 = arith.cmpi eq, %get3A_16, %eq3A_265 : vector<128x1xi32>
    %get3A_267 = arith.constant 3 : index
    %get3A_268 = arith.constant 31 : index
    %get3A_269 = memref.load %arg4[%get3A_267, %get3A_268] : memref<4x32xi32, #tpu.memory_space<smem>>
    %broadcast_in_dim3A_270 = vector.broadcast %get3A_269 : i32 to vector<128x1xi32>
    %select_n3A_271 = arith.select %eq3A_266, %broadcast_in_dim3A_270, %select_n3A_263 : vector<128x1xi1>, vector<128x1xi32>
    %iota3A = tpu.iota {dimensions = array<i32: 1>} : vector<128x81xi32>
    %eq3A_272 = vector.broadcast %select_n3A_271 : vector<128x1xi32> to vector<128x81xi32>
    %eq3A_273 = arith.cmpi eq, %eq3A_272, %iota3A : vector<128x81xi32>
    %convert_element_type3A = arith.extui %eq3A_273 : vector<128x81xi1> to vector<128x81xi32>
    %convert_element_type3A_274 = arith.sitofp %convert_element_type3A : vector<128x81xi32> to vector<128x81xf32>
    %iota3A_275 = tpu.iota {dimensions = array<i32: 1>} : vector<128x64xi32>
    %broadcast_in_dim3A_276 = arith.constant 0.000000e+00 : f32
    %broadcast_in_dim3A_277 = vector.broadcast %broadcast_in_dim3A_276 : f32 to vector<128x81xf32>
    %broadcast_in_dim3A_278 = arith.constant 0.000000e+00 : f32
    %broadcast_in_dim3A_279 = vector.broadcast %broadcast_in_dim3A_278 : f32 to vector<128x64xf32>
    %mul3A = arith.constant 6 : i32
    %mul3A_280 = vector.broadcast %mul3A : i32 to vector<128x64xi32>
    %mul3A_281 = arith.muli %iota3A_275, %mul3A_280 : vector<128x64xi32>
    %add3A = arith.constant 0 : i32
    %add3A_282 = vector.broadcast %add3A : i32 to vector<128x64xi32>
    %add3A_283 = arith.addi %mul3A_281, %add3A_282 : vector<128x64xi32>
    %eq3A_284 = vector.broadcast %get3A_11 : vector<128x1xi32> to vector<128x64xi32>
    %eq3A_285 = arith.cmpi eq, %eq3A_284, %add3A_283 : vector<128x64xi32>
    %convert_element_type3A_286 = arith.extui %eq3A_285 : vector<128x64xi1> to vector<128x64xi32>
    %convert_element_type3A_287 = arith.sitofp %convert_element_type3A_286 : vector<128x64xi32> to vector<128x64xf32>
    %slice3A = vector.extract_strided_slice %get3A_5 {offsets = [0, 0, 0], sizes = [1, 64, 81], strides = [1, 1, 1]} : vector<6x64x81xf32> to vector<1x64x81xf32>
    %squeeze3A = vector.shape_cast %slice3A : vector<1x64x81xf32> to vector<64x81xf32>
    %dot_general3A = arith.constant dense<0.000000e+00> : vector<128x81xf32>
    %dot_general3A_288 = tpu.matmul %convert_element_type3A_287, %squeeze3A, %dot_general3A {dimension_numbers = #tpu.dot_dimension_numbers<[1], [0], [0], [1], [0, 0, 1, 1], [], []>, transpose_lhs_hint = false} : vector<128x64xf32>, vector<64x81xf32>, vector<128x81xf32> -> vector<128x81xf32>
    %add3A_289 = arith.addf %broadcast_in_dim3A_277, %dot_general3A_288 : vector<128x81xf32>
    %slice3A_290 = vector.extract_strided_slice %log3A {offsets = [0, 0], sizes = [1, 64], strides = [1, 1]} : vector<6x64xf32> to vector<1x64xf32>
    %mul3A_291 = vector.broadcast %slice3A_290 : vector<1x64xf32> to vector<128x64xf32>
    %mul3A_292 = arith.mulf %convert_element_type3A_287, %mul3A_291 : vector<128x64xf32>
    %add3A_293 = arith.addf %broadcast_in_dim3A_279, %mul3A_292 : vector<128x64xf32>
    %mul3A_294 = arith.constant 6 : i32
    %mul3A_295 = vector.broadcast %mul3A_294 : i32 to vector<128x64xi32>
    %mul3A_296 = arith.muli %iota3A_275, %mul3A_295 : vector<128x64xi32>
    %add3A_297 = arith.constant 1 : i32
    %add3A_298 = vector.broadcast %add3A_297 : i32 to vector<128x64xi32>
    %add3A_299 = arith.addi %mul3A_296, %add3A_298 : vector<128x64xi32>
    %eq3A_300 = vector.broadcast %get3A_11 : vector<128x1xi32> to vector<128x64xi32>
    %eq3A_301 = arith.cmpi eq, %eq3A_300, %add3A_299 : vector<128x64xi32>
    %convert_element_type3A_302 = arith.extui %eq3A_301 : vector<128x64xi1> to vector<128x64xi32>
    %convert_element_type3A_303 = arith.sitofp %convert_element_type3A_302 : vector<128x64xi32> to vector<128x64xf32>
    %slice3A_304 = vector.extract_strided_slice %get3A_5 {offsets = [1, 0, 0], sizes = [1, 64, 81], strides = [1, 1, 1]} : vector<6x64x81xf32> to vector<1x64x81xf32>
    %squeeze3A_305 = vector.shape_cast %slice3A_304 : vector<1x64x81xf32> to vector<64x81xf32>
    %dot_general3A_306 = arith.constant dense<0.000000e+00> : vector<128x81xf32>
    %dot_general3A_307 = tpu.matmul %convert_element_type3A_303, %squeeze3A_305, %dot_general3A_306 {dimension_numbers = #tpu.dot_dimension_numbers<[1], [0], [0], [1], [0, 0, 1, 1], [], []>, transpose_lhs_hint = false} : vector<128x64xf32>, vector<64x81xf32>, vector<128x81xf32> -> vector<128x81xf32>
    %add3A_308 = arith.addf %add3A_289, %dot_general3A_307 : vector<128x81xf32>
    %slice3A_309 = vector.extract_strided_slice %log3A {offsets = [1, 0], sizes = [1, 64], strides = [1, 1]} : vector<6x64xf32> to vector<1x64xf32>
    %mul3A_310 = vector.broadcast %slice3A_309 : vector<1x64xf32> to vector<128x64xf32>
    %mul3A_311 = arith.mulf %convert_element_type3A_303, %mul3A_310 : vector<128x64xf32>
    %add3A_312 = arith.addf %add3A_293, %mul3A_311 : vector<128x64xf32>
    %mul3A_313 = arith.constant 6 : i32
    %mul3A_314 = vector.broadcast %mul3A_313 : i32 to vector<128x64xi32>
    %mul3A_315 = arith.muli %iota3A_275, %mul3A_314 : vector<128x64xi32>
    %add3A_316 = arith.constant 2 : i32
    %add3A_317 = vector.broadcast %add3A_316 : i32 to vector<128x64xi32>
    %add3A_318 = arith.addi %mul3A_315, %add3A_317 : vector<128x64xi32>
    %eq3A_319 = vector.broadcast %get3A_11 : vector<128x1xi32> to vector<128x64xi32>
    %eq3A_320 = arith.cmpi eq, %eq3A_319, %add3A_318 : vector<128x64xi32>
    %convert_element_type3A_321 = arith.extui %eq3A_320 : vector<128x64xi1> to vector<128x64xi32>
    %convert_element_type3A_322 = arith.sitofp %convert_element_type3A_321 : vector<128x64xi32> to vector<128x64xf32>
    %slice3A_323 = vector.extract_strided_slice %get3A_5 {offsets = [2, 0, 0], sizes = [1, 64, 81], strides = [1, 1, 1]} : vector<6x64x81xf32> to vector<1x64x81xf32>
    %squeeze3A_324 = vector.shape_cast %slice3A_323 : vector<1x64x81xf32> to vector<64x81xf32>
    %dot_general3A_325 = arith.constant dense<0.000000e+00> : vector<128x81xf32>
    %dot_general3A_326 = tpu.matmul %convert_element_type3A_322, %squeeze3A_324, %dot_general3A_325 {dimension_numbers = #tpu.dot_dimension_numbers<[1], [0], [0], [1], [0, 0, 1, 1], [], []>, transpose_lhs_hint = false} : vector<128x64xf32>, vector<64x81xf32>, vector<128x81xf32> -> vector<128x81xf32>
    %add3A_327 = arith.addf %add3A_308, %dot_general3A_326 : vector<128x81xf32>
    %slice3A_328 = vector.extract_strided_slice %log3A {offsets = [2, 0], sizes = [1, 64], strides = [1, 1]} : vector<6x64xf32> to vector<1x64xf32>
    %mul3A_329 = vector.broadcast %slice3A_328 : vector<1x64xf32> to vector<128x64xf32>
    %mul3A_330 = arith.mulf %convert_element_type3A_322, %mul3A_329 : vector<128x64xf32>
    %add3A_331 = arith.addf %add3A_312, %mul3A_330 : vector<128x64xf32>
    %mul3A_332 = arith.constant 6 : i32
    %mul3A_333 = vector.broadcast %mul3A_332 : i32 to vector<128x64xi32>
    %mul3A_334 = arith.muli %iota3A_275, %mul3A_333 : vector<128x64xi32>
    %add3A_335 = arith.constant 3 : i32
    %add3A_336 = vector.broadcast %add3A_335 : i32 to vector<128x64xi32>
    %add3A_337 = arith.addi %mul3A_334, %add3A_336 : vector<128x64xi32>
    %eq3A_338 = vector.broadcast %get3A_11 : vector<128x1xi32> to vector<128x64xi32>
    %eq3A_339 = arith.cmpi eq, %eq3A_338, %add3A_337 : vector<128x64xi32>
    %convert_element_type3A_340 = arith.extui %eq3A_339 : vector<128x64xi1> to vector<128x64xi32>
    %convert_element_type3A_341 = arith.sitofp %convert_element_type3A_340 : vector<128x64xi32> to vector<128x64xf32>
    %slice3A_342 = vector.extract_strided_slice %get3A_5 {offsets = [3, 0, 0], sizes = [1, 64, 81], strides = [1, 1, 1]} : vector<6x64x81xf32> to vector<1x64x81xf32>
    %squeeze3A_343 = vector.shape_cast %slice3A_342 : vector<1x64x81xf32> to vector<64x81xf32>
    %dot_general3A_344 = arith.constant dense<0.000000e+00> : vector<128x81xf32>
    %dot_general3A_345 = tpu.matmul %convert_element_type3A_341, %squeeze3A_343, %dot_general3A_344 {dimension_numbers = #tpu.dot_dimension_numbers<[1], [0], [0], [1], [0, 0, 1, 1], [], []>, transpose_lhs_hint = false} : vector<128x64xf32>, vector<64x81xf32>, vector<128x81xf32> -> vector<128x81xf32>
    %add3A_346 = arith.addf %add3A_327, %dot_general3A_345 : vector<128x81xf32>
    %slice3A_347 = vector.extract_strided_slice %log3A {offsets = [3, 0], sizes = [1, 64], strides = [1, 1]} : vector<6x64xf32> to vector<1x64xf32>
    %mul3A_348 = vector.broadcast %slice3A_347 : vector<1x64xf32> to vector<128x64xf32>
    %mul3A_349 = arith.mulf %convert_element_type3A_341, %mul3A_348 : vector<128x64xf32>
    %add3A_350 = arith.addf %add3A_331, %mul3A_349 : vector<128x64xf32>
    %mul3A_351 = arith.constant 6 : i32
    %mul3A_352 = vector.broadcast %mul3A_351 : i32 to vector<128x64xi32>
    %mul3A_353 = arith.muli %iota3A_275, %mul3A_352 : vector<128x64xi32>
    %add3A_354 = arith.constant 4 : i32
    %add3A_355 = vector.broadcast %add3A_354 : i32 to vector<128x64xi32>
    %add3A_356 = arith.addi %mul3A_353, %add3A_355 : vector<128x64xi32>
    %eq3A_357 = vector.broadcast %get3A_11 : vector<128x1xi32> to vector<128x64xi32>
    %eq3A_358 = arith.cmpi eq, %eq3A_357, %add3A_356 : vector<128x64xi32>
    %convert_element_type3A_359 = arith.extui %eq3A_358 : vector<128x64xi1> to vector<128x64xi32>
    %convert_element_type3A_360 = arith.sitofp %convert_element_type3A_359 : vector<128x64xi32> to vector<128x64xf32>
    %slice3A_361 = vector.extract_strided_slice %get3A_5 {offsets = [4, 0, 0], sizes = [1, 64, 81], strides = [1, 1, 1]} : vector<6x64x81xf32> to vector<1x64x81xf32>
    %squeeze3A_362 = vector.shape_cast %slice3A_361 : vector<1x64x81xf32> to vector<64x81xf32>
    %dot_general3A_363 = arith.constant dense<0.000000e+00> : vector<128x81xf32>
    %dot_general3A_364 = tpu.matmul %convert_element_type3A_360, %squeeze3A_362, %dot_general3A_363 {dimension_numbers = #tpu.dot_dimension_numbers<[1], [0], [0], [1], [0, 0, 1, 1], [], []>, transpose_lhs_hint = false} : vector<128x64xf32>, vector<64x81xf32>, vector<128x81xf32> -> vector<128x81xf32>
    %add3A_365 = arith.addf %add3A_346, %dot_general3A_364 : vector<128x81xf32>
    %slice3A_366 = vector.extract_strided_slice %log3A {offsets = [4, 0], sizes = [1, 64], strides = [1, 1]} : vector<6x64xf32> to vector<1x64xf32>
    %mul3A_367 = vector.broadcast %slice3A_366 : vector<1x64xf32> to vector<128x64xf32>
    %mul3A_368 = arith.mulf %convert_element_type3A_360, %mul3A_367 : vector<128x64xf32>
    %add3A_369 = arith.addf %add3A_350, %mul3A_368 : vector<128x64xf32>
    %mul3A_370 = arith.constant 6 : i32
    %mul3A_371 = vector.broadcast %mul3A_370 : i32 to vector<128x64xi32>
    %mul3A_372 = arith.muli %iota3A_275, %mul3A_371 : vector<128x64xi32>
    %add3A_373 = arith.constant 5 : i32
    %add3A_374 = vector.broadcast %add3A_373 : i32 to vector<128x64xi32>
    %add3A_375 = arith.addi %mul3A_372, %add3A_374 : vector<128x64xi32>
    %eq3A_376 = vector.broadcast %get3A_11 : vector<128x1xi32> to vector<128x64xi32>
    %eq3A_377 = arith.cmpi eq, %eq3A_376, %add3A_375 : vector<128x64xi32>
    %convert_element_type3A_378 = arith.extui %eq3A_377 : vector<128x64xi1> to vector<128x64xi32>
    %convert_element_type3A_379 = arith.sitofp %convert_element_type3A_378 : vector<128x64xi32> to vector<128x64xf32>
    %slice3A_380 = vector.extract_strided_slice %get3A_5 {offsets = [5, 0, 0], sizes = [1, 64, 81], strides = [1, 1, 1]} : vector<6x64x81xf32> to vector<1x64x81xf32>
    %squeeze3A_381 = vector.shape_cast %slice3A_380 : vector<1x64x81xf32> to vector<64x81xf32>
    %dot_general3A_382 = arith.constant dense<0.000000e+00> : vector<128x81xf32>
    %dot_general3A_383 = tpu.matmul %convert_element_type3A_379, %squeeze3A_381, %dot_general3A_382 {dimension_numbers = #tpu.dot_dimension_numbers<[1], [0], [0], [1], [0, 0, 1, 1], [], []>, transpose_lhs_hint = false} : vector<128x64xf32>, vector<64x81xf32>, vector<128x81xf32> -> vector<128x81xf32>
    %add3A_384 = arith.addf %add3A_365, %dot_general3A_383 : vector<128x81xf32>
    %slice3A_385 = vector.extract_strided_slice %log3A {offsets = [5, 0], sizes = [1, 64], strides = [1, 1]} : vector<6x64xf32> to vector<1x64xf32>
    %mul3A_386 = vector.broadcast %slice3A_385 : vector<1x64xf32> to vector<128x64xf32>
    %mul3A_387 = arith.mulf %convert_element_type3A_379, %mul3A_386 : vector<128x64xf32>
    %add3A_388 = arith.addf %add3A_369, %mul3A_387 : vector<128x64xf32>
    %mul3A_389 = arith.mulf %convert_element_type3A_274, %add3A_384 : vector<128x81xf32>
    %reduce_sum3A_390 = vector.shape_cast %mul3A_389 : vector<128x81xf32> to vector<1x128x81xf32>
    %reduce_sum3A_391 = arith.constant dense<0.000000e+00> : vector<1xf32>
    %reduce_sum3A_392 = vector.multi_reduction <add>, %reduce_sum3A_390, %reduce_sum3A_391 [1, 2] : vector<1x128x81xf32> to vector<1xf32>
    %reduce_sum3A_393 = vector.shape_cast %reduce_sum3A_392 : vector<1xf32> to vector<1x1x1xf32>
    %reduce_sum3A_394 = vector.extract %reduce_sum3A_393[0, 0, 0] : f32 from vector<1x1x1xf32>
    %reduce_sum3A_395 = vector.shape_cast %add3A_388 : vector<128x64xf32> to vector<1x128x64xf32>
    %reduce_sum3A_396 = arith.constant dense<0.000000e+00> : vector<1xf32>
    %reduce_sum3A_397 = vector.multi_reduction <add>, %reduce_sum3A_395, %reduce_sum3A_396 [1, 2] : vector<1x128x64xf32> to vector<1xf32>
    %reduce_sum3A_398 = vector.shape_cast %reduce_sum3A_397 : vector<1xf32> to vector<1x1x1xf32>
    %reduce_sum3A_399 = vector.extract %reduce_sum3A_398[0, 0, 0] : f32 from vector<1x1x1xf32>
    %sub3A = arith.subf %reduce_sum3A_394, %reduce_sum3A_399 : f32
    %get3A_400 = arith.constant 0 : index
    %get3A_401 = arith.constant 0 : index
    %get3A_402 = vector.load %arg1[%get3A_400, %get3A_401] : memref<8x128xf32, #tpu.memory_space<vmem>>, vector<8x128xf32>
    %bitcast_convert_type3A = tpu.bitcast %get3A_402 : vector<8x128xf32> -> vector<8x128xi32>
    %lt3A = arith.constant 0 : i32
    %lt3A_403 = vector.broadcast %lt3A : i32 to vector<8x128xi32>
    %lt3A_404 = arith.cmpi slt, %bitcast_convert_type3A, %lt3A_403 : vector<8x128xi32>
    %xor3A = arith.constant 2147483647 : i32
    %xor3A_405 = vector.broadcast %xor3A : i32 to vector<8x128xi32>
    %xor3A_406 = arith.xori %bitcast_convert_type3A, %xor3A_405 : vector<8x128xi32>
    %select_n3A_407 = arith.select %lt3A_404, %xor3A_406, %bitcast_convert_type3A : vector<8x128xi1>, vector<8x128xi32>
    %scan3A = arith.constant -2147483648 : i32
    %scan3A_408 = arith.constant 0 : i32
    %scan3A_409 = arith.constant 31 : i32
    %scan3A_410 = arith.addi %scan3A_408, %scan3A_409 : i32
    %scan3A_411 = arith.constant 1 : i32
    %scan3A_412 = scf.for %scan3A_445 = %scan3A_408 to %scan3A_410 step %scan3A_411 iter_args(%scan3A_446 = %scan3A) -> (i32)  : i32 {
      %sub3A_447 = arith.constant 30 : i32
      %sub3A_448 = arith.subi %sub3A_447, %scan3A_445 : i32
      %shift_left3A = arith.constant 1 : i32
      %shift_left3A_449 = arith.shli %shift_left3A, %sub3A_448 : i32
      %add3A_450 = arith.addi %scan3A_446, %shift_left3A_449 : i32
      %ge3A = vector.broadcast %add3A_450 : i32 to vector<8x128xi32>
      %ge3A_451 = arith.cmpi sge, %select_n3A_407, %ge3A : vector<8x128xi32>
      %convert_element_type3A_452 = arith.extui %ge3A_451 : vector<8x128xi1> to vector<8x128xi32>
      %reduce_sum3A_453 = vector.shape_cast %convert_element_type3A_452 : vector<8x128xi32> to vector<1x8x128xi32>
      %reduce_sum3A_454 = arith.constant dense<0> : vector<1xi32>
      %reduce_sum3A_455 = vector.multi_reduction <add>, %reduce_sum3A_453, %reduce_sum3A_454 [1, 2] : vector<1x8x128xi32> to vector<1xi32>
      %reduce_sum3A_456 = vector.shape_cast %reduce_sum3A_455 : vector<1xi32> to vector<1x1x1xi32>
      %reduce_sum3A_457 = vector.extract %reduce_sum3A_456[0, 0, 0] : i32 from vector<1x1x1xi32>
      %ge3A_458 = arith.constant 384 : i32
      %ge3A_459 = arith.cmpi sge, %reduce_sum3A_457, %ge3A_458 : i32
      %select_n3A_460 = arith.select %ge3A_459, %add3A_450, %scan3A_446 : i32
      scf.yield %select_n3A_460 : i32
    }
    %scan3A_413 = arith.constant 31 : i32
    %gt3A = vector.broadcast %scan3A_412 : i32 to vector<8x128xi32>
    %gt3A_414 = arith.cmpi sgt, %select_n3A_407, %gt3A : vector<8x128xi32>
    %convert_element_type3A_415 = arith.extui %gt3A_414 : vector<8x128xi1> to vector<8x128xi32>
    %reduce_sum3A_416 = vector.shape_cast %convert_element_type3A_415 : vector<8x128xi32> to vector<1x8x128xi32>
    %reduce_sum3A_417 = arith.constant dense<0> : vector<1xi32>
    %reduce_sum3A_418 = vector.multi_reduction <add>, %reduce_sum3A_416, %reduce_sum3A_417 [1, 2] : vector<1x8x128xi32> to vector<1xi32>
    %reduce_sum3A_419 = vector.shape_cast %reduce_sum3A_418 : vector<1xi32> to vector<1x1x1xi32>
    %reduce_sum3A_420 = vector.extract %reduce_sum3A_419[0, 0, 0] : i32 from vector<1x1x1xi32>
    %jit3A = arith.constant 0.000000e+00 : f32
    %broadcast_in_dim3A_421 = vector.broadcast %jit3A : f32 to vector<8x128xf32>
    %select_n3A_422 = arith.select %gt3A_414, %get3A_402, %broadcast_in_dim3A_421 : vector<8x128xi1>, vector<8x128xf32>
    %reduce_sum3A_423 = vector.shape_cast %select_n3A_422 : vector<8x128xf32> to vector<1x8x128xf32>
    %reduce_sum3A_424 = arith.constant dense<0.000000e+00> : vector<1xf32>
    %reduce_sum3A_425 = vector.multi_reduction <add>, %reduce_sum3A_423, %reduce_sum3A_424 [1, 2] : vector<1x8x128xf32> to vector<1xf32>
    %reduce_sum3A_426 = vector.shape_cast %reduce_sum3A_425 : vector<1xf32> to vector<1x1x1xf32>
    %reduce_sum3A_427 = vector.extract %reduce_sum3A_426[0, 0, 0] : f32 from vector<1x1x1xf32>
    %eq3A_428 = vector.broadcast %scan3A_412 : i32 to vector<8x128xi32>
    %eq3A_429 = arith.cmpi eq, %select_n3A_407, %eq3A_428 : vector<8x128xi32>
    %jit3A_430 = arith.constant 0xFF800000 : f32
    %broadcast_in_dim3A_431 = vector.broadcast %jit3A_430 : f32 to vector<8x128xf32>
    %select_n3A_432 = arith.select %eq3A_429, %get3A_402, %broadcast_in_dim3A_431 : vector<8x128xi1>, vector<8x128xf32>
    %reduce_max3A = vector.shape_cast %select_n3A_432 : vector<8x128xf32> to vector<1x8x128xf32>
    %reduce_max3A_433 = arith.constant dense<0xFF800000> : vector<1xf32>
    %reduce_max3A_434 = vector.multi_reduction <maximumf>, %reduce_max3A, %reduce_max3A_433 [1, 2] : vector<1x8x128xf32> to vector<1xf32>
    %reduce_max3A_435 = vector.shape_cast %reduce_max3A_434 : vector<1xf32> to vector<1x1x1xf32>
    %reduce_max3A_436 = vector.extract %reduce_max3A_435[0, 0, 0] : f32 from vector<1x1x1xf32>
    %sub3A_437 = arith.constant 384 : i32
    %sub3A_438 = arith.subi %sub3A_437, %reduce_sum3A_420 : i32
    %convert_element_type3A_439 = arith.sitofp %sub3A_438 : i32 to f32
    %mul3A_440 = arith.mulf %convert_element_type3A_439, %reduce_max3A_436 : f32
    %add3A_441 = arith.addf %reduce_sum3A_427, %mul3A_440 : f32
    %add3A_442 = arith.addf %sub3A, %add3A_441 : f32
    %neg3A = arith.constant 0.000000e+00 : f32
    %neg3A_443 = arith.subf %neg3A, %add3A_442 : f32
    %swap3A = arith.constant 0 : index
    %swap3A_444 = memref.load %arg5[%swap3A] : memref<1xf32, #tpu.memory_space<smem>>
    memref.store %neg3A_443, %arg5[%swap3A] : memref<1xf32, #tpu.memory_space<smem>>
    return
  }
  func.func @transform_0(%arg0: i32) -> (i32, i32) {
    %c0_i32 = arith.constant 0 : i32
    %c0_i32_0 = arith.constant 0 : i32
    %c0_i32_1 = arith.constant 0 : i32
    return %c0_i32, %c0_i32_0 : i32, i32
  }
  func.func @transform_1(%arg0: i32) -> (i32, i32, i32, i32, i32) {
    %c3_i32 = arith.constant 3 : i32
    %c0_i32 = arith.constant 0 : i32
    %c0_i32_0 = arith.constant 0 : i32
    %c0_i32_1 = arith.constant 0 : i32
    %c0_i32_2 = arith.constant 0 : i32
    %c0_i32_3 = arith.constant 0 : i32
    return %c3_i32, %c0_i32, %c0_i32_0, %c0_i32_1, %c0_i32_2 : i32, i32, i32, i32, i32
  }
  func.func @transform_2(%arg0: i32) -> (i32, i32, i32) {
    %c3_i32 = arith.constant 3 : i32
    %c0_i32 = arith.constant 0 : i32
    %c0_i32_0 = arith.constant 0 : i32
    %c0_i32_1 = arith.constant 0 : i32
    return %c3_i32, %c0_i32, %c0_i32_0 : i32, i32, i32
  }
  func.func @transform_3(%arg0: i32) -> (i32, i32) {
    %c0_i32 = arith.constant 0 : i32
    %c0_i32_0 = arith.constant 0 : i32
    %c0_i32_1 = arith.constant 0 : i32
    return %c0_i32, %c0_i32_0 : i32, i32
  }
  func.func @transform_4(%arg0: i32) -> i32 {
    %c0_i32 = arith.constant 0 : i32
    %c0_i32_0 = arith.constant 0 : i32
    return %c0_i32 : i32
  }
}

module attributes {stable_mosaic.version = 14 : i64} {
  func.func @_dense_body(%arg0: i32, %arg1: memref<1x16x6x64x81xf32, #tpu.memory_space<vmem>>, %arg2: memref<16x8x128xf32, #tpu.memory_space<vmem>>) attributes {dimension_semantics = [#tpu.dimension_semantics<arbitrary>], iteration_bounds = array<i64: 4>, scalar_prefetch = 0 : i64, scratch_operands = 0 : i64, tpu.core_type = #tpu.core_type<tc>, window_params = [{transform_indices = @transform_0, window_bounds = array<i64: 1, 16, 6, 64, 81>}, {transform_indices = @transform_1, window_bounds = array<i64: 16, 8, 128>}]} {
    %get3A = arith.constant 0 : index
    %get3A_0 = arith.constant 0 : index
    %get3A_1 = arith.constant 0 : index
    %get3A_2 = arith.constant 0 : index
    %get3A_3 = arith.constant 0 : index
    %get3A_4 = vector.load %arg1[%get3A, %get3A_0, %get3A_1, %get3A_2, %get3A_3] : memref<1x16x6x64x81xf32, #tpu.memory_space<vmem>>, vector<1x16x6x64x81xf32>
    %get3A_5 = vector.shape_cast %get3A_4 : vector<1x16x6x64x81xf32> to vector<16x6x64x81xf32>
    %exp3A = math.exp %get3A_5 : vector<16x6x64x81xf32>
    %reduce_sum3A = arith.constant dense<0.000000e+00> : vector<16x6x64xf32>
    %reduce_sum3A_6 = vector.multi_reduction <add>, %exp3A, %reduce_sum3A [3] : vector<16x6x64x81xf32> to vector<16x6x64xf32>
    %slice3A = vector.extract_strided_slice %get3A_5 {offsets = [0, 0, 0, 80], sizes = [16, 6, 64, 1], strides = [1, 1, 1, 1]} : vector<16x6x64x81xf32> to vector<16x6x64x1xf32>
    %squeeze3A = vector.shape_cast %slice3A : vector<16x6x64x1xf32> to vector<16x6x64xf32>
    %log3A = math.log %reduce_sum3A_6 : vector<16x6x64xf32>
    %sub3A = arith.subf %squeeze3A, %log3A : vector<16x6x64xf32>
    %swap3A = arith.constant 0 : index
    %swap3A_7 = arith.constant 0 : index
    %swap3A_8 = arith.constant 0 : index
    %swap3A_9 = vector.load %arg2[%swap3A, %swap3A_7, %swap3A_8] : memref<16x8x128xf32, #tpu.memory_space<vmem>>, vector<16x6x64xf32>
    tpu.vector_store %arg2[%swap3A, %swap3A_7, %swap3A_8], %sub3A {strides = array<i32>} : memref<16x8x128xf32, #tpu.memory_space<vmem>>, vector<16x6x64xf32>,
    return
  }
  func.func @transform_0(%arg0: i32) -> (i32, i32, i32, i32, i32) {
    %c3_i32 = arith.constant 3 : i32
    %c0_i32 = arith.constant 0 : i32
    %c0_i32_0 = arith.constant 0 : i32
    %c0_i32_1 = arith.constant 0 : i32
    %c0_i32_2 = arith.constant 0 : i32
    return %c3_i32, %arg0, %c0_i32, %c0_i32_0, %c0_i32_1 : i32, i32, i32, i32, i32
  }
  func.func @transform_1(%arg0: i32) -> (i32, i32, i32) {
    %c0_i32 = arith.constant 0 : i32
    %c0_i32_0 = arith.constant 0 : i32
    %c0_i32_1 = arith.constant 0 : i32
    return %arg0, %c0_i32, %c0_i32_0 : i32, i32, i32
  }
}

</mosaic_0001>

<sc_bundles>
// kernel: kernel.5.cloned.1.call-start
scs
__scs_entry_jumppad:
0x0: {  	(pc) =	sbr.rel $0x88, $3  }
0x1: {  	(tag) =	ssettag $0x0;
	lr =	simm.s32 $0x1  }
0x2: {  	[smem:$0x3F9D] =	sst lr;
	_ =	strace $0xD0000000  }
0x3: {  	_ = 	snop  }
0x4: {  	_ = 	snop  }
0x5: {  	_ = 	snop  }
0x6: {  	_ = 	snop  }
0x7: {  	_ = 	snop  }
__scs_overlays_trampoline_lowered:
0x8: {  	[smem:$0x3FAC] =	sst s0  }
0x9: {  	[smem:$0x3FAD] =	sst s1  }
0xa: {  	[smem:$0x3FAE] =	sst s2  }
0xb: {  	[smem:$0x3FAF] =	sst s3  }
0xc: {  	[smem:$0x3FB0] =	sst s4  }
0xd: {  	[smem:$0x3FB1] =	sst s5  }
0xe: {  	[smem:$0x3FB2] =	sst s6  }
0xf: {  	[smem:$0x3FB3] =	sst s7  }
0x10: {  	[smem:$0x3FB4] =	sst s8  }
0x11: {  	[smem:$0x3FB5] =	sst s9;
	s0 =	simm.s32 @!p0 $0x0  }
0x12: {  	s1 =	sld [smem:$0x3F9B];
	s0 =	simm.s32 @p0 $0x1  }
0x13: {  	[smem:$0x3FB6] =	sst s0;
	s0 =	simm.s32 @!p1 $0x0  }
0x14: {  	s2 =	sld [smem:$0x3F9A];
	s0 =	simm.s32 @p1 $0x1  }
0x15: {  	[smem:$0x3FB7] =	sst s0;
	s0 =	simm.s32 @!p2 $0x0  }
0x16: {  	s3 =	sld [smem:$0x3FDB];
	s0 =	simm.s32 @p2 $0x1  }
0x17: {  	s4 =	simm.s32 $0x1BF5;
	[smem:$0x3FB9] =	sst s0  }
0x18: {  	s0 =	sld [smem:$0x3F9C];
	_ =	swait.ge [sflag:s4], $0x0  }
0x19: {  	s7 =	sld [smem:$0x3F9D]  }
0x1a: {  	s8 =	sadd.s32 $0xFFFFE003, lr  }
0x1b: {  	s9 =	sadd.s32 $0xFFFFFEF7, lr;
	s5 =	simm.s32 $0xFFFFFFFF;
	p2 =	slt.u32 s8, $0xFFFFF086  }
0x1c: {  	p1 =	slt.u32 s9, $0xF7A;
	s5 =	simm.s32 @!p2 $0x0  }
0x1d: {  	s5 =	simm.s32 @p1 $0x1;
	p0 =	seq.s32 s7, s2  }
0x1e: {  	s7 =	smul.u32 @!p0 $0xF7A, s2;
	p2 =	seq.s32 @!p0 s5, $0x0  }
0x1f: {  	s9 =	smul.u32 $0xF7A, s1;
	s8 =	simm.s32 @!p0 $0x1BF5;
	p2 =	por !p2, p0  }
0x20: {  	[sflag:s8] =	ssyncset.s32 @!p0 $0xFFFFF086;
	s6 =	sadd.s32 @!p0 s3, s7;
	s7 =	simm.s32 @!p0 $0x108  }
0x21: {  	s3 =	sadd.s32 s3, s9;
	s6 =	sadd.s32 @!p0 $0x88, s6;
	s7 =	simm.s32 @p2 $0x1082  }
0x22: {  	[simem:s7], [sflag:s8] =	dma.local @!p0 [hbm:s6], $0xF7A  }
0x23: {  	s9 =	sor.u32 $0xD0000000, s2;
	s6 =	simm.s32 $0x108;
	_ =	swait.ge @!p0 [sflag:s8], $0x0  }
0x24: {  	s3 =	sadd.s32 $0x88, s3;
	s6 =	simm.s32 @!p1 $0x1082;
	[sflag:s4] =	ssyncset.s32 $0xFFFFF086  }
0x25: {  	[simem:s6], [sflag:s4] =	dma.local [hbm:s3], $0xF7A  }
0x26: {  	[smem:$0x3F9D] =	sst s1;
	(tag) =	ssettag s2;
	_ =	strace s9  }
0x27: {  	s1 =	sld [smem:$0x3FAD]  }
0x28: {  	s2 =	sld [smem:$0x3FAE]  }
0x29: {  	s4 =	sld [smem:$0x3FB0]  }
0x2a: {  	p0 =	seq.s32 s5, $0x0;
	s5 =	sld [smem:$0x3FB1]  }
0x2b: {  	s6 =	sld [smem:$0x3FB2]  }
0x2c: {  	s7 =	sld [smem:$0x3FB3]  }
0x2d: {  	s3 =	simm.s32 $0x108;
	s8 =	sld [smem:$0x3FB4]  }
0x2e: {  	s3 =	simm.s32 @!p0 $0x1082;
	s9 =	sld [smem:$0x3FB5]  }
0x2f: {  	lr =	sadd.s32 s0, s3;
	s0 =	sld [smem:$0x3FAC]  }
0x30: {  	s3 =	sld [smem:$0x3FAF]  }
0x31: {  	[smem:$0x3FB8] =	sst s10  }
0x32: {  	s10 =	sld [smem:$0x3FB6];
	_ =	sdelay $0x3  }
0x33: {  	p0 =	seq.s32 s10, $0x1;
	s10 =	sld [smem:$0x3FB8];
	_ =	sdelay $0x3  }
0x34: {  	[smem:$0x3FB8] =	sst s10  }
0x35: {  	s10 =	sld [smem:$0x3FB7];
	_ =	sdelay $0x3  }
0x36: {  	p1 =	seq.s32 s10, $0x1;
	s10 =	sld [smem:$0x3FB8];
	_ =	sdelay $0x3  }
0x37: {  	[smem:$0x3FB8] =	sst s10  }
0x38: {  	s10 =	sld [smem:$0x3FB9]  }
0x39: {  	_ = 	snop;
	(pc) =	sbr.ind lr, $3  }
0x3a: {  	_ = 	snop  }
0x3b: {  	_ = 	snop  }
0x3c: {  	p2 =	seq.s32 s10, $0x1;
	s10 =	sld [smem:$0x3FB8]  }
0x3d: {  	_ =	shalt  }
0x3e: {  	_ =	shalt  }
0x3f: {  	_ =	shalt  }
0x40: {  	_ =	shalt  }
0x41: {  	_ =	shalt  }
0x42: {  	_ =	shalt  }
0x43: {  	_ =	shalt  }
0x44: {  	_ =	shalt  }
0x45: {  	_ =	shalt  }
0x46: {  	_ =	shalt  }
0x47: {  	_ =	shalt  }
0x48: {  	_ =	shalt  }
0x49: {  	_ =	shalt  }
0x4a: {  	_ =	shalt  }
0x4b: {  	_ =	shalt  }
0x4c: {  	_ =	shalt  }
0x4d: {  	_ =	shalt  }
0x4e: {  	_ =	shalt  }
0x4f: {  	_ =	shalt  }
0x50: {  	_ =	shalt  }
0x51: {  	_ =	shalt  }
0x52: {  	_ =	shalt  }
0x53: {  	_ =	shalt  }
0x54: {  	_ =	shalt  }
0x55: {  	_ =	shalt  }
0x56: {  	_ =	shalt  }
0x57: {  	_ =	shalt  }
0x58: {  	_ =	shalt  }
0x59: {  	_ =	shalt  }
0x5a: {  	_ =	shalt  }
0x5b: {  	_ =	shalt  }
0x5c: {  	_ =	shalt  }
0x5d: {  	_ =	shalt  }
0x5e: {  	_ =	shalt  }
0x5f: {  	_ =	shalt  }
0x60: {  	_ =	shalt  }
0x61: {  	_ =	shalt  }
0x62: {  	_ =	shalt  }
0x63: {  	_ =	shalt  }
0x64: {  	_ =	shalt  }
0x65: {  	_ =	shalt  }
0x66: {  	_ =	shalt  }
0x67: {  	_ =	shalt  }
0x68: {  	_ =	shalt  }
0x69: {  	_ =	shalt  }
0x6a: {  	_ =	shalt  }
0x6b: {  	_ =	shalt  }
0x6c: {  	_ =	shalt  }
0x6d: {  	_ =	shalt  }
0x6e: {  	_ =	shalt  }
0x6f: {  	_ =	shalt  }
0x70: {  	_ =	shalt  }
0x71: {  	_ =	shalt  }
0x72: {  	_ =	shalt  }
0x73: {  	_ =	shalt  }
0x74: {  	_ =	shalt  }
0x75: {  	_ =	shalt  }
0x76: {  	_ =	shalt  }
0x77: {  	_ =	shalt  }
0x78: {  	_ =	shalt  }
0x79: {  	_ =	shalt  }
0x7a: {  	_ =	shalt  }
0x7b: {  	_ =	shalt  }
0x7c: {  	_ =	shalt  }
0x7d: {  	_ =	shalt  }
0x7e: {  	_ =	shalt  }
0x7f: {  	_ =	shalt  }
0x80: {  	_ =	shalt  }
0x81: {  	_ =	shalt  }
0x82: {  	_ =	shalt  }
0x83: {  	_ =	shalt  }
0x84: {  	_ =	shalt  }
0x85: {  	_ =	shalt  }
0x86: {  	_ =	shalt  }
0x87: {  	_ =	shalt  }
.Lfunc_end0:
.L_simem_size_0:
called_computation_lowered:
.L_overlay_start_0:
0x88: {  	s2 =	sld [smem:$0x3FD9]  }
0x89: {  	s3 =	sld [smem:$0x3FFE];
	_ =	sdelay $0x1  }
0x8a: {  	s1 =	srdreg.scid  }
0x8b: {  	s0 =	sand.u32 $0x1, s1  }
0x8c: {  	s17 =	sshll.u32 s0, $0xA;
	s2 =	sadd.s32 s3, s2  }
0x8d: {  	s2 =	sadd.s32 s2, s17  }
0x8e: {  	[smem:$0x3FC4] =	sst s2  }
0x8f: {  	_ = 	snop  }
0x90: {  	s2 =	sld [smem:$0x3FC6];
	(tm) =	ssettm $0x1  }
0x91: {  	s18 =	sld [smem:$0x3FFB];
	_ =	sdelay $0x3  }
0x92: {  	_ =	strace s18  }
0x93: {  	s3 =	sld [smem:$0x3FFC];
	_ =	sdelay $0x3  }
0x94: {  	_ =	strace s3  }
0x95: {  	s3 =	sld [smem:$0x3FFD];
	_ =	sdelay $0x3  }
0x96: {  	_ =	strace s3  }
0x97: {  	_ =	strace $0x8FFFFFFF  }
0x98: {  	s19 =	sld [smem:$0x3FDB];
	_ =	sdelay $0x1  }
0x99: {  	s4 =	simm.s32 $_scs_section_size  }
0x9a: {  	s5 =	simm.s32 $_size__tile_overlayer_lowered;
	s6 =	simm.s32 $_tile_overlayer_lowered  }
0x9b: {  	s22 =	simm.s32 $0x1BFF;
	s21 =	sshll.u32 s6, $0x1;
	s3 =	sadd.s32 s4, s19  }
0x9c: {  	s7 =	simm.s32 $0x0;
	s20 =	sshll.u32 s5, $0x1;
	s5 =	sadd.s32 s21, s3  }
0x9d: {  	[timem:s7], [sflag:s22] =	dma.local [hbm:s5], s20  }
0x9e: {  	_ =	swait.ge [sflag:s22], s20  }
0x9f: {  	s4 =	ssub.s32 $0x0, s20;
	[sflag:s22] =	ssyncset.done $0x0  }
0xa0: {  	[sflag:s22] =	ssyncadd.s32 s4;
	_ =	sdelay $0x1  }
0xa1: {  	s23 =	simm.s32 $0x1B8B  }
0xa2: {  	_ =	swait.ge [sflag:s23], $0x1  }
0xa3: {  	[sflag:s23] =	ssyncset.done $0x0  }
0xa4: {  	s25 =	simm.s32 $0x1B8E;
	s24 =	sld [smem:$0x3FFE];
	[sflag:s23] =	ssyncadd.s32 $0xFFFFFFFF  }
0xa5: {  	s26 =	simm.s32 $execute0_lowered;
	[smem:$0x3FD2] =	sst s25  }
0xa6: {  	s5 =	sshll.u32 s26, $0x1;
	_ =	strace $0x80000046;
	[dreg:$0x1] =	wrdreg $0xFFFFFFFF  }
0xa7: {  	s28 =	simm.s32 $_size_execute0_lowered;
	s3 =	sadd.s32 s3, s5;
	[dreg:$0x0] =	wrdreg $0x0  }
0xa8: {  	s5 =	sshll.u32 s28, $0x1;
	[dreg:$0x2] =	wrdreg s3  }
0xa9: {  	[dreg:$0x3] =	wrdreg s5  }
0xaa: {  	[dreg:$0x4] =	wrdreg $0xC0  }
0xab: {  	_ =	task [dreg:s7], $0x5FFFF  }
0xac: {  	[dreg:$0x1] =	wrdreg $0xFFFFFFFF  }
0xad: {  	[dreg:$0x0] =	wrdreg $0x60  }
0xae: {  	[dreg:$0x2] =	wrdreg s2  }
0xaf: {  	[dreg:$0x3] =	wrdreg s24  }
0xb0: {  	[dreg:$0x4] =	wrdreg $0x9  }
0xb1: {  	_ =	task.clear_ibuf [dreg:s7], $0x5FFFF;
	_ =	strace $0x90000046  }
0xb2: {  	s29 =	simm.s32 $0x9;
	_ =	strace $0x80000048  }
0xb3: {  	_ =	swait.ge [sflag:s29], $0x1  }
0xb4: {  	[sflag:s29] =	ssyncadd.s32 $0xFFFFFFFF  }
0xb5: {  	_ =	strace $0x90000048  }
0xb6: {  	_ =	sfence  }
0xb7: {  	s30 =	sld [smem:$0x0];
	_ =	sdelay $0x2  }
0xb8: {  	s31 =	sshll.u32 s1, $0xD;
	s1 =	sshrl.u32 s1, $0x2  }
0xb9: {  	s3 =	sand.u32 $0x4000, s31;
	s1 =	sadd.s32 s1, s30  }
0xba: {  	s0 =	sor.u32 s3, s0;
	s1 =	sshll.u32 s1, $0x11  }
0xbb: {  	s0 =	sor.u32 s1, s0  }
0xbc: {  	s0 =	sadd.s32 $0x8F2B, s0  }
0xbd: {  	[sflag:s0] =	ssyncadd.remote.s32 $0x1  }
0xbe: {  	_ =	sfence.sel $0xFFFF  }
0xbf: {  	[dreg:$0x0] =	wrdreg $0xFFFFFFFF;
	(pc) =	sbr.abs _section_cstart, $3  }
0xc0: {  	[dreg:$0x1] =	wrdreg $0xFFFFFFFF  }
0xc1: {  	_ =	task.clear_ibuf [dreg:s7], $0x2FFFF;
	_ =	strace $0x9FFFFFFF  }
0xc2: {  	(tm) =	ssettm $0x7FFFFFFF  }
0xc3: {  	_ =	shalt  }
tec
execute0_lowered:
.L_overlay_start_1:
0x0: {  	(tag) =	ssettag $0x1  }
0x1: {  	s1 =	srdreg.scid  }
0x2: {  	s0 =	stileid.u32;
	s6 =	sand.u32 $0x1, s1  }
0x3: {  	s30 =	sshll.u32 s0, $0x6;
	s2 =	sshll.u32 s6, $0x5  }
0x4: {  	s9 =	sor.u32 s2, s30  }
0x5: {  	s3 =	rddreg [dreg:$0x0];
	s1 =	sshll.u32 s9, $0x2;
	s2 =	sand.u32 $0x60, s9  }
0x6: {  	s10 =	rddreg [dreg:$0x1];
	s4 =	sor.u32 s2, s1  }
0x7: {  	s1 =	rddreg [dreg:$0x2];
	s2 =	simm.s32 $0x0;
	s4 =	sshrl.u32 s4, $0x3  }
0x8: {  	[smem:$0x7FF] =	sst s2;
	s4 =	sor.u32 $0x30, s4  }
0x9: {  	_ =	strace $0x80000047;
	s4 =	sadd.s32 s3, s4;
	s3 =	simm.s32 $0x2  }
0xa: {  	[tilespmem:s2], [sflag:$0x2] =	stream.linear.gather [hbm4b:s4+s2], $0x20, $0x38;
	[tilespmem:$0x100] =	vst v63  }
0xb: {  	_ =	swait.ge [sflag:s3], $0x20  }
0xc: {  	[sflag:s3] =	ssyncset.done $0x0  }
0xd: {  	[sflag:s3] =	ssyncadd.s32 $0xFFFFFFE0  }
0xe: {  	v0 =	vld [tilespmem:$0x0]  }
0xf: {  	v1 =	vld [tilespmem:$0x10];
	_ =	sdelay $0x3  }
0x10: {  	v2 =	vmul.u32 $0x2AAB, v0  }
0x11: {  	v3 =	vmul.u32 $0x2AAB, v1  }
0x12: {  	v2 =	vshra.s32 v2, $0x16  }
0x13: {  	v3 =	vshra.s32 v3, $0x16;
	v4 =	vmul.u32 $0xFFFFFE80, v2  }
0x14: {  	v5 =	vmul.u32 $0xFFFFFE80, v3  }
0x15: {  	v0 =	vadd.s32 v0, v4  }
0x16: {  	v1 =	vadd.s32 v1, v5;
	v4 =	vmul.u32 $0x2AB, v0  }
0x17: {  	v5 =	vmul.u32 $0x2AB, v1  }
0x18: {  	v4 =	vshra.s32 v4, $0xC  }
0x19: {  	v5 =	vshra.s32 v5, $0xC;
	v6 =	vmul.u32 $0x1FFFFFA, v4  }
0x1a: {  	v7 =	vmul.u32 $0x1FFFFFA, v5  }
0x1b: {  	s11 =	ssub.s32 $0x2, s6;
	v2 =	vshll.u32 v2, $0xA;
	v3 =	vshll.u32 v3, $0xA;
	v0 =	vadd.s32 v0, v6  }
0x1c: {  	s12 =	sshrl.u32 s11, $0x1;
	v2 =	vadd.s32 v2, v4;
	v1 =	vadd.s32 v1, v7;
	v0 =	vshll.u32 v0, $0x7  }
0x1d: {  	s7 =	simm.s32 $0x80;
	s9 =	sshrl.u32 s9, $0x3;
	s31 =	ssub.s32 s11, s12;
	v3 =	vadd.s32 v3, v5;
	v1 =	vshll.u32 v1, $0x7;
	v0 =	vadd.s32 v0, v2  }
0x1e: {  	s5 =	sadd.s32 $0xC00, s10;
	s9 =	sadd.s32 s9, s10;
	s10 =	smax.u32 s31, $0x1;
	v63 =	vadd.s32 v1, v3;
	[tilespmem:$0x0] =	vst v0  }
0x1f: {  	s8 =	simm.s32 $0x1;
	s6 =	simm.s32 $0x20;
	p0 =	sne.s32 s10, $0x1;
	[tilespmem:$0x10] =	vst v63  }
0x20: {  	[tilespmem:s7], [sflag:$0x1] =	stream.indirect.gather [hbm4b:s5+s6], $0x1, s2, s6, $0xb8;
	[tilespmem:$0x100] =	vst v63  }
.Ltmp0:
0x21: {  	_ =	swait.ge [sflag:s8], $0x20;
	(pc) =	sbr.rel @!p0 .LBB2_2-.Ltmp0, $4  }
0x22: {  	[sflag:s8] =	ssyncset.done $0x0  }
0x23: {  	s9 =	sadd.s32 $0x2C00, s9;
	[sflag:s8] =	ssyncadd.s32 $0xFFFFFFE0  }
0x24: {  	[hbm4b:s9+s2] =	stream.linear.scatter [tilespmem:s7], [sflag:$0x2], $0x20, $0x38;
	[tilespmem:$0x100] =	vst v63  }
0x25: {  	s10 =	sadd.s32 $0xFFFFFFFF, s10;
	_ =	swait.ge [sflag:s3], $0x20  }
.LBB2_1:
0x26: {  	p0 =	sne.s32 s10, $0x1;
	s10 =	sadd.s32 $0xFFFFFFFF, s10;
	[sflag:s3] =	ssyncset.done $0x0  }
0x27: {  	[sflag:s3] =	ssyncadd.s32 $0xFFFFFFE0  }
0x28: {  	[tilespmem:s2], [sflag:$0x2] =	stream.linear.gather [hbm4b:s4+s2], $0x20, $0x38;
	[tilespmem:$0x100] =	vst v63  }
0x29: {  	_ =	swait.ge [sflag:s3], $0x20  }
0x2a: {  	[sflag:s3] =	ssyncset.done $0x0  }
0x2b: {  	[sflag:s3] =	ssyncadd.s32 $0xFFFFFFE0  }
0x2c: {  	v0 =	vld [tilespmem:$0x0]  }
0x2d: {  	v1 =	vld [tilespmem:$0x10];
	_ =	sdelay $0x3  }
0x2e: {  	v2 =	vmul.u32 $0x2AAB, v0  }
0x2f: {  	v3 =	vmul.u32 $0x2AAB, v1  }
0x30: {  	v2 =	vshra.s32 v2, $0x16  }
0x31: {  	v4 =	vmul.u32 $0xFFFFFE80, v2;
	v3 =	vshra.s32 v3, $0x16  }
0x32: {  	v5 =	vmul.u32 $0xFFFFFE80, v3  }
0x33: {  	v0 =	vadd.s32 v0, v4  }
0x34: {  	v4 =	vmul.u32 $0x2AB, v0;
	v1 =	vadd.s32 v1, v5  }
0x35: {  	v5 =	vmul.u32 $0x2AB, v1  }
0x36: {  	v4 =	vshra.s32 v4, $0xC  }
0x37: {  	v6 =	vmul.u32 $0x1FFFFFA, v4;
	v5 =	vshra.s32 v5, $0xC  }
0x38: {  	v2 =	vshll.u32 v2, $0xA;
	v7 =	vmul.u32 $0x1FFFFFA, v5  }
0x39: {  	v3 =	vshll.u32 v3, $0xA;
	v2 =	vadd.s32 v2, v4;
	v0 =	vadd.s32 v0, v6  }
0x3a: {  	v3 =	vadd.s32 v3, v5;
	v0 =	vshll.u32 v0, $0x7;
	v1 =	vadd.s32 v1, v7  }
0x3b: {  	v0 =	vadd.s32 v0, v2;
	v1 =	vshll.u32 v1, $0x7  }
0x3c: {  	[tilespmem:$0x0] =	vst v0;
	v0 =	vadd.s32 v1, v3  }
0x3d: {  	[tilespmem:$0x10] =	vst v0  }
0x3e: {  	[tilespmem:s7], [sflag:$0x1] =	stream.indirect.gather [hbm4b:s5+s6], $0x1, s2, s6, $0xb8;
	[tilespmem:$0x100] =	vst v63  }
.Ltmp1:
0x3f: {  	_ =	swait.ge [sflag:s8], $0x20;
	(pc) =	sbr.rel @p0 .LBB2_1-.Ltmp1, $4  }
0x40: {  	[sflag:s8] =	ssyncset.done $0x0  }
0x41: {  	[sflag:s8] =	ssyncadd.s32 $0xFFFFFFE0  }
0x42: {  	[hbm4b:s9+s2] =	stream.linear.scatter [tilespmem:s7], [sflag:$0x2], $0x20, $0x38;
	[tilespmem:$0x100] =	vst v63  }
0x43: {  	_ =	swait.ge [sflag:s3], $0x20  }
.LBB2_2:
0x44: {  	[sflag:s3] =	ssyncset.done $0x0  }
0x45: {  	[sflag:s3] =	ssyncadd.s32 $0xFFFFFFE0  }
0x46: {  	_ =	sfence.sel $0x180000  }
0x47: {  	[bflag:$0x0] =	sbarrier.arrive $0xFFFF  }
0x48: {  	p0 =	sne.s32 s0, $0x0;
	_ =	strace $0x90000047  }
0x49: {  	s0 =	sadd.s32 @!p0 $0x100000, s1;
	[bflag:$0x2] =	sbarrier.arrive $0xFFFF  }
0x4a: {  	[sflag:s0] =	ssyncadd.tile.s32 @!p0 $0x1;
	_ =	shalt  }
.Lfunc_end2:
_tile_overlayer_lowered:
.L_overlay_start_2:
0x4b: {  	(tag) =	ssettag $0x2  }
0x4c: {  	s0 =	rddreg [dreg:$0x0];
	s2 =	stileid.u32  }
0x4d: {  	s1 =	rddreg [dreg:$0x1];
	p0 =	sne.s32 s2, $0x0  }
0x4e: {  	s3 =	rddreg [dreg:$0x2];
	[bflag:$0x3] =	sbarrier.arrive $0xFFFF;
	s2 =	simm.s32 @!p0 $0x1C02  }
0x4f: {  	[timem:s3], [sflag:s2] =	dma.local @!p0 [hbm:s0], s1  }
0x50: {  	s0 =	simm.s32 @!p0 $0x2  }
0x51: {  	_ =	swait.ge @!p0 [sflag:s0], s1  }
0x52: {  	s1 =	ssub.s32 @!p0 $0x0, s1;
	[sflag:s0] =	ssyncset.done @!p0 $0x0  }
0x53: {  	[sflag:s0] =	ssyncadd.s32 @!p0 s1  }
0x54: {  	[bflag:$0x3] =	sbarrier.arrive $0xFFFF  }
0x55: {  	_ =	shalt  }

</sc_bundles>
